<compile_context>
chip_gen: v7x
topology: tpu7x:2x2x1
jax: 0.10.2.dev20260603
libtpu: 0.0.44.dev20260713+nightly
codegen_flags: <defaults>
</compile_context>

<pallas_src>
import functools

import jax
import jax.numpy as jnp
from jax import lax
from jax.experimental import pallas as pl
from jax.experimental.pallas import tpu as pltpu
from jax.experimental.pallas import tpu_sc as plsc

D = 256
B = 163842
NW = 32
CH = 64
NB = 4
NSP = 3
LK = 3
BPW = 5120
NCH = BPW // CH
TAIL_BASE = NW * BPW
IDX_PAD = TAIL_BASE + 16


def _make_sc_gather():
    mesh = plsc.VectorSubcoreMesh(core_axis_name="c", subcore_axis_name="s")

    @functools.partial(
        pl.kernel,
        mesh=mesh,
        out_type=jax.ShapeDtypeStruct((B, D), jnp.float32),
        scratch_types=[
            pltpu.VMEM((BPW,), jnp.int32),
            pltpu.VMEM((NB, CH, D), jnp.float32),
            pltpu.VMEM((16, D), jnp.float32),
            pltpu.VMEM_SHARED((16, NSP, CH, D), jnp.float32),
            pltpu.SemaphoreType.DMA,
            pltpu.SemaphoreType.DMA,
            pltpu.SemaphoreType.DMA,
        ],
    )
    def gather_kernel(x_hbm, idx_hbm, out_hbm, idx_v, rows_v,
                      tail_v, sp_rows, g_sem, h_sem, s_sem):
        cid = lax.axis_index("c")
        sid = lax.axis_index("s")
        wid = sid * 2 + cid
        base = wid * BPW

        pltpu.sync_copy(idx_hbm.at[pl.ds(base, BPW)], idx_v)

        def gather_chunk(c):
            off = pl.multiple_of(c * CH, CH)
            return pltpu.make_async_copy(
                x_hbm.at[idx_v.at[pl.ds(off, CH)]],
                rows_v.at[lax.rem(c, NB)], g_sem)

        def hop_chunk(c):
            return pltpu.make_async_copy(
                rows_v.at[lax.rem(c, NB)],
                sp_rows.at[sid, lax.rem(c, NSP)], h_sem)

        def scatter_chunk(c):
            off = pl.multiple_of(c * CH, CH)
            return pltpu.make_async_copy(
                sp_rows.at[sid, lax.rem(c, NSP)],
                out_hbm.at[pl.ds(base + off, CH)], s_sem)

        for c in range(LK):
            gather_chunk(c).start()

        def body(c, _):
            gather_chunk(c).wait()
            @pl.when(c >= 1)
            def _():
                hop_chunk(c - 1).wait()
                scatter_chunk(c - 1).start()

            @pl.when(c >= NSP)
            def _():
                scatter_chunk(c - NSP).wait()

            hop_chunk(c).start()

            @pl.when(c + LK < NCH)
            def _():
                gather_chunk(c + LK).start()

            return 0

        lax.fori_loop(0, NCH, body, 0)

        hop_chunk(NCH - 1).wait()
        scatter_chunk(NCH - 1).start()
        for k in range(NSP):
            scatter_chunk(NCH - NSP + k).wait()

        @pl.when(wid == 0)
        def _():
            pltpu.sync_copy(idx_hbm.at[pl.ds(TAIL_BASE, 16)],
                            idx_v.at[pl.ds(0, 16)])
            pltpu.async_copy(x_hbm.at[idx_v.at[pl.ds(0, 16)]],
                             tail_v, g_sem).wait()
            pltpu.sync_copy(tail_v.at[pl.ds(0, 2)],
                            out_hbm.at[pl.ds(TAIL_BASE, 2)])

    return gather_kernel


_gather = _make_sc_gather()


@jax.jit
def kernel(x, finer_grid_map):
    idx = jnp.concatenate(
        [finer_grid_map,
         jnp.zeros((IDX_PAD - B,), dtype=finer_grid_map.dtype)])
    return _gather(x, idx)

# --- scband reference (transcript-rebuilt; emitter-appended) ---
"""Pipeline reference for scband-ico-unpool-19164144075050 (READ-ONLY COPY).

The authoritative reference and input builder live on the scoring server;
editing this copy changes nothing except your own understanding.
"""

import jax, jax.numpy as jnp
import numpy as np


def setup_inputs(seed: int = 0) -> dict:
    key = jax.random.key(seed)
    k1, k2 = jax.random.split(key)
    x = jax.random.normal(k1, (40962, 256), dtype=jnp.float32)
    finer_grid_map = jax.random.randint(k2, (163842,), 0, 40962, dtype=jnp.int32)
    return {"x": x, "finer_grid_map": finer_grid_map}


def reference(x, finer_grid_map):
    # IcoUnpool.forward: nearest-neighbor upsampling via gather x[finer_grid_map]
    return jnp.take(x, finer_grid_map, axis=0)

if __name__ == "__main__":
    import jax
    _d = setup_inputs()
    print(jax.jit(kernel)(*tuple(_d.values())))

</pallas_src>

<mosaic_0001>
#map = affine_map<(d0, d1) -> (0, 0)>
#map1 = affine_map<(d0, d1) -> (0)>
module attributes {stable_mosaic.version = 14 : i64} {
  func.func @gather_kernel(%arg0: i32, %arg1: i32, %arg2: memref<40962x256xf32, #tpu.memory_space<hbm>>, %arg3: memref<163856xi32, #tpu.memory_space<hbm>>, %arg4: memref<163842x256xf32, #tpu.memory_space<hbm>>, %arg5: memref<5120xi32, #tpu.memory_space<vmem>>, %arg6: memref<4x64x256xf32, #tpu.memory_space<vmem>>, %arg7: memref<16x256xf32, #tpu.memory_space<vmem>>, %arg8: memref<16x3x64x256xf32, #tpu.memory_space<vmem_shared>>, %arg9: memref<!tpu.dma_semaphore, #tpu.memory_space<semaphore_mem>>, %arg10: memref<!tpu.dma_semaphore, #tpu.memory_space<semaphore_mem>>, %arg11: memref<!tpu.dma_semaphore, #tpu.memory_space<semaphore_mem>>) attributes {dimension_semantics = [#tpu.dimension_semantics<core_parallel>, #tpu.dimension_semantics<subcore_parallel>], iteration_bounds = array<i64: 2, 16>, scalar_prefetch = 0 : i64, scratch_operands = 7 : i64, tpu.core_type = #tpu.core_type<sc_vector_subcore>, window_params = [{transform_indices = #map}, {transform_indices = #map1}, {transform_indices = #map}]} {
    %mul3A = arith.constant 2 : i32
    %mul3A_0 = arith.muli %arg1, %mul3A : i32
    %add3A = arith.addi %mul3A_0, %arg0 : i32
    %mul3A_1 = arith.constant 5120 : i32
    %mul3A_2 = arith.muli %add3A, %mul3A_1 : i32
    "tpu.region"() ({
      %run_scoped3A = tpu.sem_alloc : memref<!tpu.dma_semaphore, #tpu.memory_space<semaphore_mem>>
      %dma_start3A_116 = tpu.memref_slice %arg3[%mul3A_2] : memref<163856xi32, #tpu.memory_space<hbm>> -> memref<5120xi32, #tpu.memory_space<hbm>>
      %dma_start3A_117 = tpu.memref_slice %arg3[%mul3A_2] : memref<163856xi32, #tpu.memory_space<hbm>> -> memref<5120xi32, #tpu.memory_space<hbm>>
      tpu.enqueue_dma source(%dma_start3A_117 : memref<5120xi32, #tpu.memory_space<hbm>>) target(%arg5 : memref<5120xi32, #tpu.memory_space<vmem>>) target_semaphore(%run_scoped3A : memref<!tpu.dma_semaphore, #tpu.memory_space<semaphore_mem>>)
      %dma_wait3A_118 = tpu.memref_slice %arg3[%mul3A_2] : memref<163856xi32, #tpu.memory_space<hbm>> -> memref<5120xi32, #tpu.memory_space<hbm>>
      %dma_wait3A_119 = tpu.memref_slice %arg3[%mul3A_2] : memref<163856xi32, #tpu.memory_space<hbm>> -> memref<5120xi32, #tpu.memory_space<hbm>>
      tpu.wait_dma2 semaphore(%run_scoped3A : memref<!tpu.dma_semaphore, #tpu.memory_space<semaphore_mem>>) src(%dma_wait3A_119 : memref<5120xi32, #tpu.memory_space<hbm>>) dst(%arg5 : memref<5120xi32, #tpu.memory_space<vmem>>)
      tpu.yield
    }) : () -> ()
    %multiple_of3A = arith.constant 0 : i32
    %multiple_of3A_3 = tpu.assume_multiple %multiple_of3A, 64 : i32
    %rem3A = arith.constant 0 : i32
    %rem3A_4 = arith.constant 4 : i32
    %rem3A_5 = arith.remsi %rem3A, %rem3A_4 : i32
    %dma_start3A = arith.constant 0 : i32
    %dma_start3A_6 = arith.constant 0 : i32
    %dma_start3A_7 = tpu.memref_slice %arg6[%rem3A_5, %dma_start3A, %dma_start3A_6] : memref<4x64x256xf32, #tpu.memory_space<vmem>> -> memref<1x64x256xf32, #tpu.memory_space<vmem>>
    %dma_start3A_8 = tpu.memref_squeeze %dma_start3A_7 : memref<1x64x256xf32, #tpu.memory_space<vmem>> -> memref<64x256xf32, #tpu.memory_space<vmem>>
    %dma_start3A_9 = tpu.memref_slice %arg5[%multiple_of3A_3] : memref<5120xi32, #tpu.memory_space<vmem>> -> memref<64xi32, #tpu.memory_space<vmem>>
    %dma_start3A_10 = arith.constant 0 : i32
    %dma_start3A_11 = arith.constant 0 : i32
    %dma_start3A_12 = tpu.memref_slice %arg2[%dma_start3A_10, %dma_start3A_11] : memref<40962x256xf32, #tpu.memory_space<hbm>> -> memref<40962x256xf32, #tpu.memory_space<hbm>>
    tpu.enqueue_indirect_dma source(%dma_start3A_12 : memref<40962x256xf32, #tpu.memory_space<hbm>>) target(%dma_start3A_8 : memref<64x256xf32, #tpu.memory_space<vmem>>) offsets(%dma_start3A_9 : memref<64xi32, #tpu.memory_space<vmem>>) semaphore(%arg9 : memref<!tpu.dma_semaphore, #tpu.memory_space<semaphore_mem>>)
    %multiple_of3A_13 = arith.constant 64 : i32
    %multiple_of3A_14 = tpu.assume_multiple %multiple_of3A_13, 64 : i32
    %rem3A_15 = arith.constant 1 : i32
    %rem3A_16 = arith.constant 4 : i32
    %rem3A_17 = arith.remsi %rem3A_15, %rem3A_16 : i32
    %dma_start3A_18 = arith.constant 0 : i32
    %dma_start3A_19 = arith.constant 0 : i32
    %dma_start3A_20 = tpu.memref_slice %arg6[%rem3A_17, %dma_start3A_18, %dma_start3A_19] : memref<4x64x256xf32, #tpu.memory_space<vmem>> -> memref<1x64x256xf32, #tpu.memory_space<vmem>>
    %dma_start3A_21 = tpu.memref_squeeze %dma_start3A_20 : memref<1x64x256xf32, #tpu.memory_space<vmem>> -> memref<64x256xf32, #tpu.memory_space<vmem>>
    %dma_start3A_22 = tpu.memref_slice %arg5[%multiple_of3A_14] : memref<5120xi32, #tpu.memory_space<vmem>> -> memref<64xi32, #tpu.memory_space<vmem>>
    %dma_start3A_23 = arith.constant 0 : i32
    %dma_start3A_24 = arith.constant 0 : i32
    %dma_start3A_25 = tpu.memref_slice %arg2[%dma_start3A_23, %dma_start3A_24] : memref<40962x256xf32, #tpu.memory_space<hbm>> -> memref<40962x256xf32, #tpu.memory_space<hbm>>
    tpu.enqueue_indirect_dma source(%dma_start3A_25 : memref<40962x256xf32, #tpu.memory_space<hbm>>) target(%dma_start3A_21 : memref<64x256xf32, #tpu.memory_space<vmem>>) offsets(%dma_start3A_22 : memref<64xi32, #tpu.memory_space<vmem>>) semaphore(%arg9 : memref<!tpu.dma_semaphore, #tpu.memory_space<semaphore_mem>>)
    %multiple_of3A_26 = arith.constant 128 : i32
    %multiple_of3A_27 = tpu.assume_multiple %multiple_of3A_26, 64 : i32
    %rem3A_28 = arith.constant 2 : i32
    %rem3A_29 = arith.constant 4 : i32
    %rem3A_30 = arith.remsi %rem3A_28, %rem3A_29 : i32
    %dma_start3A_31 = arith.constant 0 : i32
    %dma_start3A_32 = arith.constant 0 : i32
    %dma_start3A_33 = tpu.memref_slice %arg6[%rem3A_30, %dma_start3A_31, %dma_start3A_32] : memref<4x64x256xf32, #tpu.memory_space<vmem>> -> memref<1x64x256xf32, #tpu.memory_space<vmem>>
    %dma_start3A_34 = tpu.memref_squeeze %dma_start3A_33 : memref<1x64x256xf32, #tpu.memory_space<vmem>> -> memref<64x256xf32, #tpu.memory_space<vmem>>
    %dma_start3A_35 = tpu.memref_slice %arg5[%multiple_of3A_27] : memref<5120xi32, #tpu.memory_space<vmem>> -> memref<64xi32, #tpu.memory_space<vmem>>
    %dma_start3A_36 = arith.constant 0 : i32
    %dma_start3A_37 = arith.constant 0 : i32
    %dma_start3A_38 = tpu.memref_slice %arg2[%dma_start3A_36, %dma_start3A_37] : memref<40962x256xf32, #tpu.memory_space<hbm>> -> memref<40962x256xf32, #tpu.memory_space<hbm>>
    tpu.enqueue_indirect_dma source(%dma_start3A_38 : memref<40962x256xf32, #tpu.memory_space<hbm>>) target(%dma_start3A_34 : memref<64x256xf32, #tpu.memory_space<vmem>>) offsets(%dma_start3A_35 : memref<64xi32, #tpu.memory_space<vmem>>) semaphore(%arg9 : memref<!tpu.dma_semaphore, #tpu.memory_space<semaphore_mem>>)
    %scan3A = arith.constant 0 : i32
    %scan3A_39 = arith.constant 0 : i32
    %scan3A_40 = arith.constant 80 : i32
    %scan3A_41 = arith.addi %scan3A_39, %scan3A_40 : i32
    %scan3A_42 = arith.constant 1 : i32
    %scan3A_43 = scf.for %scan3A_116 = %scan3A_39 to %scan3A_41 step %scan3A_42 iter_args(%scan3A_117 = %scan3A) -> (i32)  : i32 {
      %mul3A_118 = arith.constant 64 : i32
      %mul3A_119 = arith.muli %scan3A_116, %mul3A_118 : i32
      %multiple_of3A_120 = tpu.assume_multiple %mul3A_119, 64 : i32
      %rem3A_121 = arith.constant 4 : i32
      %rem3A_122 = arith.remsi %scan3A_116, %rem3A_121 : i32
      %dma_wait3A_123 = arith.constant 0 : i32
      %dma_wait3A_124 = arith.constant 0 : i32
      %dma_wait3A_125 = tpu.memref_slice %arg6[%rem3A_122, %dma_wait3A_123, %dma_wait3A_124] : memref<4x64x256xf32, #tpu.memory_space<vmem>> -> memref<1x64x256xf32, #tpu.memory_space<vmem>>
      %dma_wait3A_126 = tpu.memref_squeeze %dma_wait3A_125 : memref<1x64x256xf32, #tpu.memory_space<vmem>> -> memref<64x256xf32, #tpu.memory_space<vmem>>
      %dma_wait3A_127 = tpu.memref_slice %arg5[%multiple_of3A_120] : memref<5120xi32, #tpu.memory_space<vmem>> -> memref<64xi32, #tpu.memory_space<vmem>>
      %dma_wait3A_128 = arith.constant 0 : i32
      %dma_wait3A_129 = arith.constant 0 : i32
      %dma_wait3A_130 = tpu.memref_slice %arg2[%dma_wait3A_128, %dma_wait3A_129] : memref<40962x256xf32, #tpu.memory_space<hbm>> -> memref<40962x256xf32, #tpu.memory_space<hbm>>
      tpu.wait_indirect_dma semaphore(%arg9 : memref<!tpu.dma_semaphore, #tpu.memory_space<semaphore_mem>>) src(%dma_wait3A_130 : memref<40962x256xf32, #tpu.memory_space<hbm>>) dst(%dma_wait3A_126 : memref<64x256xf32, #tpu.memory_space<vmem>>)
      %ge3A = arith.constant 1 : i32
      %ge3A_131 = arith.cmpi sge, %scan3A_116, %ge3A : i32
      %convert_element_type3A_132 = arith.extui %ge3A_131 : i1 to i32
      %cond3A_133 = arith.constant 0 : i32
      %cond3A_134 = arith.cmpi ne, %convert_element_type3A_132, %cond3A_133 : i32
      scf.if %cond3A_134 {
        %sub3A = arith.constant 1 : i32
        %sub3A_167 = arith.subi %scan3A_116, %sub3A : i32
        %rem3A_168 = arith.constant 4 : i32
        %rem3A_169 = arith.remsi %sub3A_167, %rem3A_168 : i32
        %rem3A_170 = arith.constant 3 : i32
        %rem3A_171 = arith.remsi %sub3A_167, %rem3A_170 : i32
        %dma_wait3A_172 = arith.constant 0 : i32
        %dma_wait3A_173 = arith.constant 0 : i32
        %dma_wait3A_174 = tpu.memref_slice %arg6[%rem3A_169, %dma_wait3A_172, %dma_wait3A_173] : memref<4x64x256xf32, #tpu.memory_space<vmem>> -> memref<1x64x256xf32, #tpu.memory_space<vmem>>
        %dma_wait3A_175 = tpu.memref_squeeze %dma_wait3A_174 : memref<1x64x256xf32, #tpu.memory_space<vmem>> -> memref<64x256xf32, #tpu.memory_space<vmem>>
        %dma_wait3A_176 = arith.constant 0 : i32
        %dma_wait3A_177 = arith.constant 0 : i32
        %dma_wait3A_178 = tpu.memref_slice %arg8[%arg1, %rem3A_171, %dma_wait3A_176, %dma_wait3A_177] : memref<16x3x64x256xf32, #tpu.memory_space<vmem_shared>> -> memref<1x1x64x256xf32, #tpu.memory_space<vmem_shared>>
        %dma_wait3A_179 = tpu.memref_squeeze %dma_wait3A_178 : memref<1x1x64x256xf32, #tpu.memory_space<vmem_shared>> -> memref<64x256xf32, #tpu.memory_space<vmem_shared>>
        %dma_wait3A_180 = arith.constant 0 : i32
        %dma_wait3A_181 = arith.constant 0 : i32
        %dma_wait3A_182 = tpu.memref_slice %arg8[%arg1, %rem3A_171, %dma_wait3A_180, %dma_wait3A_181] : memref<16x3x64x256xf32, #tpu.memory_space<vmem_shared>> -> memref<1x1x64x256xf32, #tpu.memory_space<vmem_shared>>
        %dma_wait3A_183 = tpu.memref_squeeze %dma_wait3A_182 : memref<1x1x64x256xf32, #tpu.memory_space<vmem_shared>> -> memref<64x256xf32, #tpu.memory_space<vmem_shared>>
        %dma_wait3A_184 = arith.constant 0 : i32
        %dma_wait3A_185 = arith.constant 0 : i32
        %dma_wait3A_186 = tpu.memref_slice %arg6[%rem3A_169, %dma_wait3A_184, %dma_wait3A_185] : memref<4x64x256xf32, #tpu.memory_space<vmem>> -> memref<1x64x256xf32, #tpu.memory_space<vmem>>
        %dma_wait3A_187 = tpu.memref_squeeze %dma_wait3A_186 : memref<1x64x256xf32, #tpu.memory_space<vmem>> -> memref<64x256xf32, #tpu.memory_space<vmem>>
        tpu.wait_dma2 semaphore(%arg10 : memref<!tpu.dma_semaphore, #tpu.memory_space<semaphore_mem>>) src(%dma_wait3A_187 : memref<64x256xf32, #tpu.memory_space<vmem>>) dst(%dma_wait3A_183 : memref<64x256xf32, #tpu.memory_space<vmem_shared>>)
        %sub3A_188 = arith.constant 1 : i32
        %sub3A_189 = arith.subi %scan3A_116, %sub3A_188 : i32
        %mul3A_190 = arith.constant 64 : i32
        %mul3A_191 = arith.muli %sub3A_189, %mul3A_190 : i32
        %multiple_of3A_192 = tpu.assume_multiple %mul3A_191, 64 : i32
        %rem3A_193 = arith.constant 3 : i32
        %rem3A_194 = arith.remsi %sub3A_189, %rem3A_193 : i32
        %add3A_195 = arith.addi %mul3A_2, %multiple_of3A_192 : i32
        %dma_start3A_196 = arith.constant 0 : i32
        %dma_start3A_197 = tpu.memref_slice %arg4[%add3A_195, %dma_start3A_196] : memref<163842x256xf32, #tpu.memory_space<hbm>> -> memref<64x256xf32, #tpu.memory_space<hbm>>
        %dma_start3A_198 = arith.constant 0 : i32
        %dma_start3A_199 = arith.constant 0 : i32
        %dma_start3A_200 = tpu.memref_slice %arg8[%arg1, %rem3A_194, %dma_start3A_198, %dma_start3A_199] : memref<16x3x64x256xf32, #tpu.memory_space<vmem_shared>> -> memref<1x1x64x256xf32, #tpu.memory_space<vmem_shared>>
        %dma_start3A_201 = tpu.memref_squeeze %dma_start3A_200 : memref<1x1x64x256xf32, #tpu.memory_space<vmem_shared>> -> memref<64x256xf32, #tpu.memory_space<vmem_shared>>
        tpu.enqueue_dma source(%dma_start3A_201 : memref<64x256xf32, #tpu.memory_space<vmem_shared>>) target(%dma_start3A_197 : memref<64x256xf32, #tpu.memory_space<hbm>>) target_semaphore(%arg11 : memref<!tpu.dma_semaphore, #tpu.memory_space<semaphore_mem>>)
      } else {
      }
      %ge3A_135 = arith.constant 3 : i32
      %ge3A_136 = arith.cmpi sge, %scan3A_116, %ge3A_135 : i32
      %convert_element_type3A_137 = arith.extui %ge3A_136 : i1 to i32
      %cond3A_138 = arith.constant 0 : i32
      %cond3A_139 = arith.cmpi ne, %convert_element_type3A_137, %cond3A_138 : i32
      scf.if %cond3A_139 {
        %sub3A = arith.constant 3 : i32
        %sub3A_167 = arith.subi %scan3A_116, %sub3A : i32
        %mul3A_168 = arith.constant 64 : i32
        %mul3A_169 = arith.muli %sub3A_167, %mul3A_168 : i32
        %multiple_of3A_170 = tpu.assume_multiple %mul3A_169, 64 : i32
        %rem3A_171 = arith.constant 3 : i32
        %rem3A_172 = arith.remsi %sub3A_167, %rem3A_171 : i32
        %add3A_173 = arith.addi %mul3A_2, %multiple_of3A_170 : i32
        %dma_wait3A_174 = arith.constant 0 : i32
        %dma_wait3A_175 = tpu.memref_slice %arg4[%add3A_173, %dma_wait3A_174] : memref<163842x256xf32, #tpu.memory_space<hbm>> -> memref<64x256xf32, #tpu.memory_space<hbm>>
        %dma_wait3A_176 = arith.constant 0 : i32
        %dma_wait3A_177 = arith.constant 0 : i32
        %dma_wait3A_178 = tpu.memref_slice %arg8[%arg1, %rem3A_172, %dma_wait3A_176, %dma_wait3A_177] : memref<16x3x64x256xf32, #tpu.memory_space<vmem_shared>> -> memref<1x1x64x256xf32, #tpu.memory_space<vmem_shared>>
        %dma_wait3A_179 = tpu.memref_squeeze %dma_wait3A_178 : memref<1x1x64x256xf32, #tpu.memory_space<vmem_shared>> -> memref<64x256xf32, #tpu.memory_space<vmem_shared>>
        tpu.wait_dma2 semaphore(%arg11 : memref<!tpu.dma_semaphore, #tpu.memory_space<semaphore_mem>>) src(%dma_wait3A_179 : memref<64x256xf32, #tpu.memory_space<vmem_shared>>) dst(%dma_wait3A_175 : memref<64x256xf32, #tpu.memory_space<hbm>>)
      } else {
      }
      %rem3A_140 = arith.constant 4 : i32
      %rem3A_141 = arith.remsi %scan3A_116, %rem3A_140 : i32
      %rem3A_142 = arith.constant 3 : i32
      %rem3A_143 = arith.remsi %scan3A_116, %rem3A_142 : i32
      %dma_start3A_144 = arith.constant 0 : i32
      %dma_start3A_145 = arith.constant 0 : i32
      %dma_start3A_146 = tpu.memref_slice %arg6[%rem3A_141, %dma_start3A_144, %dma_start3A_145] : memref<4x64x256xf32, #tpu.memory_space<vmem>> -> memref<1x64x256xf32, #tpu.memory_space<vmem>>
      %dma_start3A_147 = tpu.memref_squeeze %dma_start3A_146 : memref<1x64x256xf32, #tpu.memory_space<vmem>> -> memref<64x256xf32, #tpu.memory_space<vmem>>
      %dma_start3A_148 = arith.constant 0 : i32
      %dma_start3A_149 = arith.constant 0 : i32
      %dma_start3A_150 = tpu.memref_slice %arg8[%arg1, %rem3A_143, %dma_start3A_148, %dma_start3A_149] : memref<16x3x64x256xf32, #tpu.memory_space<vmem_shared>> -> memref<1x1x64x256xf32, #tpu.memory_space<vmem_shared>>
      %dma_start3A_151 = tpu.memref_squeeze %dma_start3A_150 : memref<1x1x64x256xf32, #tpu.memory_space<vmem_shared>> -> memref<64x256xf32, #tpu.memory_space<vmem_shared>>
      %dma_start3A_152 = arith.constant 0 : i32
      %dma_start3A_153 = arith.constant 0 : i32
      %dma_start3A_154 = tpu.memref_slice %arg8[%arg1, %rem3A_143, %dma_start3A_152, %dma_start3A_153] : memref<16x3x64x256xf32, #tpu.memory_space<vmem_shared>> -> memref<1x1x64x256xf32, #tpu.memory_space<vmem_shared>>
      %dma_start3A_155 = tpu.memref_squeeze %dma_start3A_154 : memref<1x1x64x256xf32, #tpu.memory_space<vmem_shared>> -> memref<64x256xf32, #tpu.memory_space<vmem_shared>>
      %dma_start3A_156 = arith.constant 0 : i32
      %dma_start3A_157 = arith.constant 0 : i32
      %dma_start3A_158 = tpu.memref_slice %arg6[%rem3A_141, %dma_start3A_156, %dma_start3A_157] : memref<4x64x256xf32, #tpu.memory_space<vmem>> -> memref<1x64x256xf32, #tpu.memory_space<vmem>>
      %dma_start3A_159 = tpu.memref_squeeze %dma_start3A_158 : memref<1x64x256xf32, #tpu.memory_space<vmem>> -> memref<64x256xf32, #tpu.memory_space<vmem>>
      tpu.enqueue_dma source(%dma_start3A_159 : memref<64x256xf32, #tpu.memory_space<vmem>>) target(%dma_start3A_155 : memref<64x256xf32, #tpu.memory_space<vmem_shared>>) target_semaphore(%arg10 : memref<!tpu.dma_semaphore, #tpu.memory_space<semaphore_mem>>)
      %add3A_160 = arith.constant 3 : i32
      %add3A_161 = arith.addi %scan3A_116, %add3A_160 : i32
      %lt3A = arith.constant 80 : i32
      %lt3A_162 = arith.cmpi slt, %add3A_161, %lt3A : i32
      %convert_element_type3A_163 = arith.extui %lt3A_162 : i1 to i32
      %cond3A_164 = arith.constant 0 : i32
      %cond3A_165 = arith.cmpi ne, %convert_element_type3A_163, %cond3A_164 : i32
      scf.if %cond3A_165 {
        %add3A_167 = arith.constant 3 : i32
        %add3A_168 = arith.addi %scan3A_116, %add3A_167 : i32
        %mul3A_169 = arith.constant 64 : i32
        %mul3A_170 = arith.muli %add3A_168, %mul3A_169 : i32
        %multiple_of3A_171 = tpu.assume_multiple %mul3A_170, 64 : i32
        %rem3A_172 = arith.constant 4 : i32
        %rem3A_173 = arith.remsi %add3A_168, %rem3A_172 : i32
        %dma_start3A_174 = arith.constant 0 : i32
        %dma_start3A_175 = arith.constant 0 : i32
        %dma_start3A_176 = tpu.memref_slice %arg6[%rem3A_173, %dma_start3A_174, %dma_start3A_175] : memref<4x64x256xf32, #tpu.memory_space<vmem>> -> memref<1x64x256xf32, #tpu.memory_space<vmem>>
        %dma_start3A_177 = tpu.memref_squeeze %dma_start3A_176 : memref<1x64x256xf32, #tpu.memory_space<vmem>> -> memref<64x256xf32, #tpu.memory_space<vmem>>
        %dma_start3A_178 = tpu.memref_slice %arg5[%multiple_of3A_171] : memref<5120xi32, #tpu.memory_space<vmem>> -> memref<64xi32, #tpu.memory_space<vmem>>
        %dma_start3A_179 = arith.constant 0 : i32
        %dma_start3A_180 = arith.constant 0 : i32
        %dma_start3A_181 = tpu.memref_slice %arg2[%dma_start3A_179, %dma_start3A_180] : memref<40962x256xf32, #tpu.memory_space<hbm>> -> memref<40962x256xf32, #tpu.memory_space<hbm>>
        tpu.enqueue_indirect_dma source(%dma_start3A_181 : memref<40962x256xf32, #tpu.memory_space<hbm>>) target(%dma_start3A_177 : memref<64x256xf32, #tpu.memory_space<vmem>>) offsets(%dma_start3A_178 : memref<64xi32, #tpu.memory_space<vmem>>) semaphore(%arg9 : memref<!tpu.dma_semaphore, #tpu.memory_space<semaphore_mem>>)
      } else {
      }
      %scan3A_166 = arith.constant 0 : i32
      scf.yield %scan3A_166 : i32
    }
    %scan3A_44 = arith.constant 80 : i32
    %rem3A_45 = arith.constant 79 : i32
    %rem3A_46 = arith.constant 4 : i32
    %rem3A_47 = arith.remsi %rem3A_45, %rem3A_46 : i32
    %rem3A_48 = arith.constant 79 : i32
    %rem3A_49 = arith.constant 3 : i32
    %rem3A_50 = arith.remsi %rem3A_48, %rem3A_49 : i32
    %dma_wait3A = arith.constant 0 : i32
    %dma_wait3A_51 = arith.constant 0 : i32
    %dma_wait3A_52 = tpu.memref_slice %arg6[%rem3A_47, %dma_wait3A, %dma_wait3A_51] : memref<4x64x256xf32, #tpu.memory_space<vmem>> -> memref<1x64x256xf32, #tpu.memory_space<vmem>>
    %dma_wait3A_53 = tpu.memref_squeeze %dma_wait3A_52 : memref<1x64x256xf32, #tpu.memory_space<vmem>> -> memref<64x256xf32, #tpu.memory_space<vmem>>
    %dma_wait3A_54 = arith.constant 0 : i32
    %dma_wait3A_55 = arith.constant 0 : i32
    %dma_wait3A_56 = tpu.memref_slice %arg8[%arg1, %rem3A_50, %dma_wait3A_54, %dma_wait3A_55] : memref<16x3x64x256xf32, #tpu.memory_space<vmem_shared>> -> memref<1x1x64x256xf32, #tpu.memory_space<vmem_shared>>
    %dma_wait3A_57 = tpu.memref_squeeze %dma_wait3A_56 : memref<1x1x64x256xf32, #tpu.memory_space<vmem_shared>> -> memref<64x256xf32, #tpu.memory_space<vmem_shared>>
    %dma_wait3A_58 = arith.constant 0 : i32
    %dma_wait3A_59 = arith.constant 0 : i32
    %dma_wait3A_60 = tpu.memref_slice %arg8[%arg1, %rem3A_50, %dma_wait3A_58, %dma_wait3A_59] : memref<16x3x64x256xf32, #tpu.memory_space<vmem_shared>> -> memref<1x1x64x256xf32, #tpu.memory_space<vmem_shared>>
    %dma_wait3A_61 = tpu.memref_squeeze %dma_wait3A_60 : memref<1x1x64x256xf32, #tpu.memory_space<vmem_shared>> -> memref<64x256xf32, #tpu.memory_space<vmem_shared>>
    %dma_wait3A_62 = arith.constant 0 : i32
    %dma_wait3A_63 = arith.constant 0 : i32
    %dma_wait3A_64 = tpu.memref_slice %arg6[%rem3A_47, %dma_wait3A_62, %dma_wait3A_63] : memref<4x64x256xf32, #tpu.memory_space<vmem>> -> memref<1x64x256xf32, #tpu.memory_space<vmem>>
    %dma_wait3A_65 = tpu.memref_squeeze %dma_wait3A_64 : memref<1x64x256xf32, #tpu.memory_space<vmem>> -> memref<64x256xf32, #tpu.memory_space<vmem>>
    tpu.wait_dma2 semaphore(%arg10 : memref<!tpu.dma_semaphore, #tpu.memory_space<semaphore_mem>>) src(%dma_wait3A_65 : memref<64x256xf32, #tpu.memory_space<vmem>>) dst(%dma_wait3A_61 : memref<64x256xf32, #tpu.memory_space<vmem_shared>>)
    %multiple_of3A_66 = arith.constant 5056 : i32
    %multiple_of3A_67 = tpu.assume_multiple %multiple_of3A_66, 64 : i32
    %rem3A_68 = arith.constant 79 : i32
    %rem3A_69 = arith.constant 3 : i32
    %rem3A_70 = arith.remsi %rem3A_68, %rem3A_69 : i32
    %add3A_71 = arith.addi %mul3A_2, %multiple_of3A_67 : i32
    %dma_start3A_72 = arith.constant 0 : i32
    %dma_start3A_73 = tpu.memref_slice %arg4[%add3A_71, %dma_start3A_72] : memref<163842x256xf32, #tpu.memory_space<hbm>> -> memref<64x256xf32, #tpu.memory_space<hbm>>
    %dma_start3A_74 = arith.constant 0 : i32
    %dma_start3A_75 = arith.constant 0 : i32
    %dma_start3A_76 = tpu.memref_slice %arg8[%arg1, %rem3A_70, %dma_start3A_74, %dma_start3A_75] : memref<16x3x64x256xf32, #tpu.memory_space<vmem_shared>> -> memref<1x1x64x256xf32, #tpu.memory_space<vmem_shared>>
    %dma_start3A_77 = tpu.memref_squeeze %dma_start3A_76 : memref<1x1x64x256xf32, #tpu.memory_space<vmem_shared>> -> memref<64x256xf32, #tpu.memory_space<vmem_shared>>
    tpu.enqueue_dma source(%dma_start3A_77 : memref<64x256xf32, #tpu.memory_space<vmem_shared>>) target(%dma_start3A_73 : memref<64x256xf32, #tpu.memory_space<hbm>>) target_semaphore(%arg11 : memref<!tpu.dma_semaphore, #tpu.memory_space<semaphore_mem>>)
    %multiple_of3A_78 = arith.constant 4928 : i32
    %multiple_of3A_79 = tpu.assume_multiple %multiple_of3A_78, 64 : i32
    %rem3A_80 = arith.constant 77 : i32
    %rem3A_81 = arith.constant 3 : i32
    %rem3A_82 = arith.remsi %rem3A_80, %rem3A_81 : i32
    %add3A_83 = arith.addi %mul3A_2, %multiple_of3A_79 : i32
    %dma_wait3A_84 = arith.constant 0 : i32
    %dma_wait3A_85 = tpu.memref_slice %arg4[%add3A_83, %dma_wait3A_84] : memref<163842x256xf32, #tpu.memory_space<hbm>> -> memref<64x256xf32, #tpu.memory_space<hbm>>
    %dma_wait3A_86 = arith.constant 0 : i32
    %dma_wait3A_87 = arith.constant 0 : i32
    %dma_wait3A_88 = tpu.memref_slice %arg8[%arg1, %rem3A_82, %dma_wait3A_86, %dma_wait3A_87] : memref<16x3x64x256xf32, #tpu.memory_space<vmem_shared>> -> memref<1x1x64x256xf32, #tpu.memory_space<vmem_shared>>
    %dma_wait3A_89 = tpu.memref_squeeze %dma_wait3A_88 : memref<1x1x64x256xf32, #tpu.memory_space<vmem_shared>> -> memref<64x256xf32, #tpu.memory_space<vmem_shared>>
    tpu.wait_dma2 semaphore(%arg11 : memref<!tpu.dma_semaphore, #tpu.memory_space<semaphore_mem>>) src(%dma_wait3A_89 : memref<64x256xf32, #tpu.memory_space<vmem_shared>>) dst(%dma_wait3A_85 : memref<64x256xf32, #tpu.memory_space<hbm>>)
    %multiple_of3A_90 = arith.constant 4992 : i32
    %multiple_of3A_91 = tpu.assume_multiple %multiple_of3A_90, 64 : i32
    %rem3A_92 = arith.constant 78 : i32
    %rem3A_93 = arith.constant 3 : i32
    %rem3A_94 = arith.remsi %rem3A_92, %rem3A_93 : i32
    %add3A_95 = arith.addi %mul3A_2, %multiple_of3A_91 : i32
    %dma_wait3A_96 = arith.constant 0 : i32
    %dma_wait3A_97 = tpu.memref_slice %arg4[%add3A_95, %dma_wait3A_96] : memref<163842x256xf32, #tpu.memory_space<hbm>> -> memref<64x256xf32, #tpu.memory_space<hbm>>
    %dma_wait3A_98 = arith.constant 0 : i32
    %dma_wait3A_99 = arith.constant 0 : i32
    %dma_wait3A_100 = tpu.memref_slice %arg8[%arg1, %rem3A_94, %dma_wait3A_98, %dma_wait3A_99] : memref<16x3x64x256xf32, #tpu.memory_space<vmem_shared>> -> memref<1x1x64x256xf32, #tpu.memory_space<vmem_shared>>
    %dma_wait3A_101 = tpu.memref_squeeze %dma_wait3A_100 : memref<1x1x64x256xf32, #tpu.memory_space<vmem_shared>> -> memref<64x256xf32, #tpu.memory_space<vmem_shared>>
    tpu.wait_dma2 semaphore(%arg11 : memref<!tpu.dma_semaphore, #tpu.memory_space<semaphore_mem>>) src(%dma_wait3A_101 : memref<64x256xf32, #tpu.memory_space<vmem_shared>>) dst(%dma_wait3A_97 : memref<64x256xf32, #tpu.memory_space<hbm>>)
    %multiple_of3A_102 = arith.constant 5056 : i32
    %multiple_of3A_103 = tpu.assume_multiple %multiple_of3A_102, 64 : i32
    %rem3A_104 = arith.constant 79 : i32
    %rem3A_105 = arith.constant 3 : i32
    %rem3A_106 = arith.remsi %rem3A_104, %rem3A_105 : i32
    %add3A_107 = arith.addi %mul3A_2, %multiple_of3A_103 : i32
    %dma_wait3A_108 = arith.constant 0 : i32
    %dma_wait3A_109 = tpu.memref_slice %arg4[%add3A_107, %dma_wait3A_108] : memref<163842x256xf32, #tpu.memory_space<hbm>> -> memref<64x256xf32, #tpu.memory_space<hbm>>
    %dma_wait3A_110 = arith.constant 0 : i32
    %dma_wait3A_111 = arith.constant 0 : i32
    %dma_wait3A_112 = tpu.memref_slice %arg8[%arg1, %rem3A_106, %dma_wait3A_110, %dma_wait3A_111] : memref<16x3x64x256xf32, #tpu.memory_space<vmem_shared>> -> memref<1x1x64x256xf32, #tpu.memory_space<vmem_shared>>
    %dma_wait3A_113 = tpu.memref_squeeze %dma_wait3A_112 : memref<1x1x64x256xf32, #tpu.memory_space<vmem_shared>> -> memref<64x256xf32, #tpu.memory_space<vmem_shared>>
    tpu.wait_dma2 semaphore(%arg11 : memref<!tpu.dma_semaphore, #tpu.memory_space<semaphore_mem>>) src(%dma_wait3A_113 : memref<64x256xf32, #tpu.memory_space<vmem_shared>>) dst(%dma_wait3A_109 : memref<64x256xf32, #tpu.memory_space<hbm>>)
    %eq3A = arith.constant 0 : i32
    %eq3A_114 = arith.cmpi eq, %add3A, %eq3A : i32
    %convert_element_type3A = arith.extui %eq3A_114 : i1 to i32
    %cond3A = arith.constant 0 : i32
    %cond3A_115 = arith.cmpi ne, %convert_element_type3A, %cond3A : i32
    scf.if %cond3A_115 {
      "tpu.region"() ({
        %run_scoped3A = tpu.sem_alloc : memref<!tpu.dma_semaphore, #tpu.memory_space<semaphore_mem>>
        %dma_start3A_126 = arith.constant 0 : i32
        %dma_start3A_127 = tpu.memref_slice %arg5[%dma_start3A_126] : memref<5120xi32, #tpu.memory_space<vmem>> -> memref<16xi32, #tpu.memory_space<vmem>>
        %dma_start3A_128 = arith.constant 163840 : i32
        %dma_start3A_129 = tpu.memref_slice %arg3[%dma_start3A_128] : memref<163856xi32, #tpu.memory_space<hbm>> -> memref<16xi32, #tpu.memory_space<hbm>>
        %dma_start3A_130 = arith.constant 0 : i32
        %dma_start3A_131 = tpu.memref_slice %arg5[%dma_start3A_130] : memref<5120xi32, #tpu.memory_space<vmem>> -> memref<16xi32, #tpu.memory_space<vmem>>
        %dma_start3A_132 = arith.constant 163840 : i32
        %dma_start3A_133 = tpu.memref_slice %arg3[%dma_start3A_132] : memref<163856xi32, #tpu.memory_space<hbm>> -> memref<16xi32, #tpu.memory_space<hbm>>
        tpu.enqueue_dma source(%dma_start3A_133 : memref<16xi32, #tpu.memory_space<hbm>>) target(%dma_start3A_131 : memref<16xi32, #tpu.memory_space<vmem>>) target_semaphore(%run_scoped3A : memref<!tpu.dma_semaphore, #tpu.memory_space<semaphore_mem>>)
        %dma_wait3A_134 = arith.constant 0 : i32
        %dma_wait3A_135 = tpu.memref_slice %arg5[%dma_wait3A_134] : memref<5120xi32, #tpu.memory_space<vmem>> -> memref<16xi32, #tpu.memory_space<vmem>>
        %dma_wait3A_136 = arith.constant 163840 : i32
        %dma_wait3A_137 = tpu.memref_slice %arg3[%dma_wait3A_136] : memref<163856xi32, #tpu.memory_space<hbm>> -> memref<16xi32, #tpu.memory_space<hbm>>
        %dma_wait3A_138 = arith.constant 0 : i32
        %dma_wait3A_139 = tpu.memref_slice %arg5[%dma_wait3A_138] : memref<5120xi32, #tpu.memory_space<vmem>> -> memref<16xi32, #tpu.memory_space<vmem>>
        %dma_wait3A_140 = arith.constant 163840 : i32
        %dma_wait3A_141 = tpu.memref_slice %arg3[%dma_wait3A_140] : memref<163856xi32, #tpu.memory_space<hbm>> -> memref<16xi32, #tpu.memory_space<hbm>>
        tpu.wait_dma2 semaphore(%run_scoped3A : memref<!tpu.dma_semaphore, #tpu.memory_space<semaphore_mem>>) src(%dma_wait3A_141 : memref<16xi32, #tpu.memory_space<hbm>>) dst(%dma_wait3A_139 : memref<16xi32, #tpu.memory_space<vmem>>)
        tpu.yield
      }) : () -> ()
      %dma_start3A_116 = arith.constant 0 : i32
      %dma_start3A_117 = tpu.memref_slice %arg5[%dma_start3A_116] : memref<5120xi32, #tpu.memory_space<vmem>> -> memref<16xi32, #tpu.memory_space<vmem>>
      %dma_start3A_118 = arith.constant 0 : i32
      %dma_start3A_119 = arith.constant 0 : i32
      %dma_start3A_120 = tpu.memref_slice %arg2[%dma_start3A_118, %dma_start3A_119] : memref<40962x256xf32, #tpu.memory_space<hbm>> -> memref<40962x256xf32, #tpu.memory_space<hbm>>
      tpu.enqueue_indirect_dma source(%dma_start3A_120 : memref<40962x256xf32, #tpu.memory_space<hbm>>) target(%arg7 : memref<16x256xf32, #tpu.memory_space<vmem>>) offsets(%dma_start3A_117 : memref<16xi32, #tpu.memory_space<vmem>>) semaphore(%arg9 : memref<!tpu.dma_semaphore, #tpu.memory_space<semaphore_mem>>)
      %dma_wait3A_121 = arith.constant 0 : i32
      %dma_wait3A_122 = tpu.memref_slice %arg5[%dma_wait3A_121] : memref<5120xi32, #tpu.memory_space<vmem>> -> memref<16xi32, #tpu.memory_space<vmem>>
      %dma_wait3A_123 = arith.constant 0 : i32
      %dma_wait3A_124 = arith.constant 0 : i32
      %dma_wait3A_125 = tpu.memref_slice %arg2[%dma_wait3A_123, %dma_wait3A_124] : memref<40962x256xf32, #tpu.memory_space<hbm>> -> memref<40962x256xf32, #tpu.memory_space<hbm>>
      tpu.wait_indirect_dma semaphore(%arg9 : memref<!tpu.dma_semaphore, #tpu.memory_space<semaphore_mem>>) src(%dma_wait3A_125 : memref<40962x256xf32, #tpu.memory_space<hbm>>) dst(%arg7 : memref<16x256xf32, #tpu.memory_space<vmem>>)
      "tpu.region"() ({
        %run_scoped3A = tpu.sem_alloc : memref<!tpu.dma_semaphore, #tpu.memory_space<semaphore_mem>>
        %dma_start3A_126 = arith.constant 0 : i32
        %dma_start3A_127 = arith.constant 0 : i32
        %dma_start3A_128 = tpu.memref_slice %arg7[%dma_start3A_126, %dma_start3A_127] : memref<16x256xf32, #tpu.memory_space<vmem>> -> memref<2x256xf32, #tpu.memory_space<vmem>>
        %dma_start3A_129 = arith.constant 163840 : i32
        %dma_start3A_130 = arith.constant 0 : i32
        %dma_start3A_131 = tpu.memref_slice %arg4[%dma_start3A_129, %dma_start3A_130] : memref<163842x256xf32, #tpu.memory_space<hbm>> -> memref<2x256xf32, #tpu.memory_space<hbm>>
        %dma_start3A_132 = arith.constant 163840 : i32
        %dma_start3A_133 = arith.constant 0 : i32
        %dma_start3A_134 = tpu.memref_slice %arg4[%dma_start3A_132, %dma_start3A_133] : memref<163842x256xf32, #tpu.memory_space<hbm>> -> memref<2x256xf32, #tpu.memory_space<hbm>>
        %dma_start3A_135 = arith.constant 0 : i32
        %dma_start3A_136 = arith.constant 0 : i32
        %dma_start3A_137 = tpu.memref_slice %arg7[%dma_start3A_135, %dma_start3A_136] : memref<16x256xf32, #tpu.memory_space<vmem>> -> memref<2x256xf32, #tpu.memory_space<vmem>>
        tpu.enqueue_dma source(%dma_start3A_137 : memref<2x256xf32, #tpu.memory_space<vmem>>) target(%dma_start3A_134 : memref<2x256xf32, #tpu.memory_space<hbm>>) target_semaphore(%run_scoped3A : memref<!tpu.dma_semaphore, #tpu.memory_space<semaphore_mem>>)
        %dma_wait3A_138 = arith.constant 0 : i32
        %dma_wait3A_139 = arith.constant 0 : i32
        %dma_wait3A_140 = tpu.memref_slice %arg7[%dma_wait3A_138, %dma_wait3A_139] : memref<16x256xf32, #tpu.memory_space<vmem>> -> memref<2x256xf32, #tpu.memory_space<vmem>>
        %dma_wait3A_141 = arith.constant 163840 : i32
        %dma_wait3A_142 = arith.constant 0 : i32
        %dma_wait3A_143 = tpu.memref_slice %arg4[%dma_wait3A_141, %dma_wait3A_142] : memref<163842x256xf32, #tpu.memory_space<hbm>> -> memref<2x256xf32, #tpu.memory_space<hbm>>
        %dma_wait3A_144 = arith.constant 163840 : i32
        %dma_wait3A_145 = arith.constant 0 : i32
        %dma_wait3A_146 = tpu.memref_slice %arg4[%dma_wait3A_144, %dma_wait3A_145] : memref<163842x256xf32, #tpu.memory_space<hbm>> -> memref<2x256xf32, #tpu.memory_space<hbm>>
        %dma_wait3A_147 = arith.constant 0 : i32
        %dma_wait3A_148 = arith.constant 0 : i32
        %dma_wait3A_149 = tpu.memref_slice %arg7[%dma_wait3A_147, %dma_wait3A_148] : memref<16x256xf32, #tpu.memory_space<vmem>> -> memref<2x256xf32, #tpu.memory_space<vmem>>
        tpu.wait_dma2 semaphore(%run_scoped3A : memref<!tpu.dma_semaphore, #tpu.memory_space<semaphore_mem>>) src(%dma_wait3A_149 : memref<2x256xf32, #tpu.memory_space<vmem>>) dst(%dma_wait3A_146 : memref<2x256xf32, #tpu.memory_space<hbm>>)
        tpu.yield
      }) : () -> ()
    } else {
    }
    return
  }
}

</mosaic_0001>

<sc_bundles>
// kernel: kernel.3.cloned.1.call-start
scs
__scs_entry_jumppad:
0x0: {  	(pc) =	sbr.rel $0x88, $3  }
0x1: {  	(tag) =	ssettag $0x0;
	lr =	simm.s32 $0x1  }
0x2: {  	[smem:$0x3F9F] =	sst lr;
	_ =	strace $0xD0000000  }
0x3: {  	_ = 	snop  }
0x4: {  	_ = 	snop  }
0x5: {  	_ = 	snop  }
0x6: {  	_ = 	snop  }
0x7: {  	_ = 	snop  }
__scs_overlays_trampoline_lowered:
0x8: {  	[smem:$0x3FAE] =	sst s0  }
0x9: {  	[smem:$0x3FAF] =	sst s1  }
0xa: {  	[smem:$0x3FB0] =	sst s2  }
0xb: {  	[smem:$0x3FB1] =	sst s3  }
0xc: {  	[smem:$0x3FB2] =	sst s4  }
0xd: {  	[smem:$0x3FB3] =	sst s5  }
0xe: {  	[smem:$0x3FB4] =	sst s6  }
0xf: {  	[smem:$0x3FB5] =	sst s7  }
0x10: {  	[smem:$0x3FB6] =	sst s8  }
0x11: {  	[smem:$0x3FB7] =	sst s9;
	s0 =	simm.s32 @!p0 $0x0  }
0x12: {  	s1 =	sld [smem:$0x3F9D];
	s0 =	simm.s32 @p0 $0x1  }
0x13: {  	[smem:$0x3FB8] =	sst s0;
	s0 =	simm.s32 @!p1 $0x0  }
0x14: {  	s2 =	sld [smem:$0x3F9C];
	s0 =	simm.s32 @p1 $0x1  }
0x15: {  	[smem:$0x3FB9] =	sst s0;
	s0 =	simm.s32 @!p2 $0x0  }
0x16: {  	s3 =	sld [smem:$0x3FDB];
	s0 =	simm.s32 @p2 $0x1  }
0x17: {  	s4 =	simm.s32 $0x1BF5;
	[smem:$0x3FBB] =	sst s0  }
0x18: {  	s0 =	sld [smem:$0x3F9E];
	_ =	swait.ge [sflag:s4], $0x0  }
0x19: {  	s7 =	sld [smem:$0x3F9F]  }
0x1a: {  	s8 =	sadd.s32 $0xFFFFE003, lr  }
0x1b: {  	s9 =	sadd.s32 $0xFFFFFEF7, lr;
	s5 =	simm.s32 $0xFFFFFFFF;
	p2 =	slt.u32 s8, $0xFFFFF086  }
0x1c: {  	p1 =	slt.u32 s9, $0xF7A;
	s5 =	simm.s32 @!p2 $0x0  }
0x1d: {  	s5 =	simm.s32 @p1 $0x1;
	p0 =	seq.s32 s7, s2  }
0x1e: {  	s7 =	smul.u32 @!p0 $0xF7A, s2;
	p2 =	seq.s32 @!p0 s5, $0x0  }
0x1f: {  	s9 =	smul.u32 $0xF7A, s1;
	s8 =	simm.s32 @!p0 $0x1BF5;
	p2 =	por !p2, p0  }
0x20: {  	[sflag:s8] =	ssyncset.s32 @!p0 $0xFFFFF086;
	s6 =	sadd.s32 @!p0 s3, s7;
	s7 =	simm.s32 @!p0 $0x108  }
0x21: {  	s3 =	sadd.s32 s3, s9;
	s6 =	sadd.s32 @!p0 $0x88, s6;
	s7 =	simm.s32 @p2 $0x1082  }
0x22: {  	[simem:s7], [sflag:s8] =	dma.local @!p0 [hbm:s6], $0xF7A  }
0x23: {  	s9 =	sor.u32 $0xD0000000, s2;
	s6 =	simm.s32 $0x108;
	_ =	swait.ge @!p0 [sflag:s8], $0x0  }
0x24: {  	s3 =	sadd.s32 $0x88, s3;
	s6 =	simm.s32 @!p1 $0x1082;
	[sflag:s4] =	ssyncset.s32 $0xFFFFF086  }
0x25: {  	[simem:s6], [sflag:s4] =	dma.local [hbm:s3], $0xF7A  }
0x26: {  	[smem:$0x3F9F] =	sst s1;
	(tag) =	ssettag s2;
	_ =	strace s9  }
0x27: {  	s1 =	sld [smem:$0x3FAF]  }
0x28: {  	s2 =	sld [smem:$0x3FB0]  }
0x29: {  	s4 =	sld [smem:$0x3FB2]  }
0x2a: {  	p0 =	seq.s32 s5, $0x0;
	s5 =	sld [smem:$0x3FB3]  }
0x2b: {  	s6 =	sld [smem:$0x3FB4]  }
0x2c: {  	s7 =	sld [smem:$0x3FB5]  }
0x2d: {  	s3 =	simm.s32 $0x108;
	s8 =	sld [smem:$0x3FB6]  }
0x2e: {  	s3 =	simm.s32 @!p0 $0x1082;
	s9 =	sld [smem:$0x3FB7]  }
0x2f: {  	lr =	sadd.s32 s0, s3;
	s0 =	sld [smem:$0x3FAE]  }
0x30: {  	s3 =	sld [smem:$0x3FB1]  }
0x31: {  	[smem:$0x3FBA] =	sst s10  }
0x32: {  	s10 =	sld [smem:$0x3FB8];
	_ =	sdelay $0x3  }
0x33: {  	p0 =	seq.s32 s10, $0x1;
	s10 =	sld [smem:$0x3FBA];
	_ =	sdelay $0x3  }
0x34: {  	[smem:$0x3FBA] =	sst s10  }
0x35: {  	s10 =	sld [smem:$0x3FB9];
	_ =	sdelay $0x3  }
0x36: {  	p1 =	seq.s32 s10, $0x1;
	s10 =	sld [smem:$0x3FBA];
	_ =	sdelay $0x3  }
0x37: {  	[smem:$0x3FBA] =	sst s10  }
0x38: {  	s10 =	sld [smem:$0x3FBB]  }
0x39: {  	_ = 	snop;
	(pc) =	sbr.ind lr, $3  }
0x3a: {  	_ = 	snop  }
0x3b: {  	_ = 	snop  }
0x3c: {  	p2 =	seq.s32 s10, $0x1;
	s10 =	sld [smem:$0x3FBA]  }
0x3d: {  	_ =	shalt  }
0x3e: {  	_ =	shalt  }
0x3f: {  	_ =	shalt  }
0x40: {  	_ =	shalt  }
0x41: {  	_ =	shalt  }
0x42: {  	_ =	shalt  }
0x43: {  	_ =	shalt  }
0x44: {  	_ =	shalt  }
0x45: {  	_ =	shalt  }
0x46: {  	_ =	shalt  }
0x47: {  	_ =	shalt  }
0x48: {  	_ =	shalt  }
0x49: {  	_ =	shalt  }
0x4a: {  	_ =	shalt  }
0x4b: {  	_ =	shalt  }
0x4c: {  	_ =	shalt  }
0x4d: {  	_ =	shalt  }
0x4e: {  	_ =	shalt  }
0x4f: {  	_ =	shalt  }
0x50: {  	_ =	shalt  }
0x51: {  	_ =	shalt  }
0x52: {  	_ =	shalt  }
0x53: {  	_ =	shalt  }
0x54: {  	_ =	shalt  }
0x55: {  	_ =	shalt  }
0x56: {  	_ =	shalt  }
0x57: {  	_ =	shalt  }
0x58: {  	_ =	shalt  }
0x59: {  	_ =	shalt  }
0x5a: {  	_ =	shalt  }
0x5b: {  	_ =	shalt  }
0x5c: {  	_ =	shalt  }
0x5d: {  	_ =	shalt  }
0x5e: {  	_ =	shalt  }
0x5f: {  	_ =	shalt  }
0x60: {  	_ =	shalt  }
0x61: {  	_ =	shalt  }
0x62: {  	_ =	shalt  }
0x63: {  	_ =	shalt  }
0x64: {  	_ =	shalt  }
0x65: {  	_ =	shalt  }
0x66: {  	_ =	shalt  }
0x67: {  	_ =	shalt  }
0x68: {  	_ =	shalt  }
0x69: {  	_ =	shalt  }
0x6a: {  	_ =	shalt  }
0x6b: {  	_ =	shalt  }
0x6c: {  	_ =	shalt  }
0x6d: {  	_ =	shalt  }
0x6e: {  	_ =	shalt  }
0x6f: {  	_ =	shalt  }
0x70: {  	_ =	shalt  }
0x71: {  	_ =	shalt  }
0x72: {  	_ =	shalt  }
0x73: {  	_ =	shalt  }
0x74: {  	_ =	shalt  }
0x75: {  	_ =	shalt  }
0x76: {  	_ =	shalt  }
0x77: {  	_ =	shalt  }
0x78: {  	_ =	shalt  }
0x79: {  	_ =	shalt  }
0x7a: {  	_ =	shalt  }
0x7b: {  	_ =	shalt  }
0x7c: {  	_ =	shalt  }
0x7d: {  	_ =	shalt  }
0x7e: {  	_ =	shalt  }
0x7f: {  	_ =	shalt  }
0x80: {  	_ =	shalt  }
0x81: {  	_ =	shalt  }
0x82: {  	_ =	shalt  }
0x83: {  	_ =	shalt  }
0x84: {  	_ =	shalt  }
0x85: {  	_ =	shalt  }
0x86: {  	_ =	shalt  }
0x87: {  	_ =	shalt  }
.Lfunc_end0:
.L_simem_size_0:
called_computation_lowered:
.L_overlay_start_0:
0x88: {  	s2 =	sld [smem:$0x3FD9]  }
0x89: {  	s3 =	sld [smem:$0x3FFE];
	_ =	sdelay $0x1  }
0x8a: {  	s1 =	srdreg.scid  }
0x8b: {  	s0 =	sand.u32 $0x1, s1  }
0x8c: {  	s17 =	sshll.u32 s0, $0xA;
	s2 =	sadd.s32 s3, s2  }
0x8d: {  	s2 =	sadd.s32 s2, s17  }
0x8e: {  	[smem:$0x3FC6] =	sst s2  }
0x8f: {  	_ = 	snop  }
0x90: {  	s2 =	sld [smem:$0x3FC9]  }
0x91: {  	s18 =	sld [smem:$0x3FD0];
	(tm) =	ssettm $0x1  }
0x92: {  	s4 =	sld [smem:$0x3FFB];
	_ =	sdelay $0x3  }
0x93: {  	_ =	strace s4  }
0x94: {  	s4 =	sld [smem:$0x3FFC];
	_ =	sdelay $0x3  }
0x95: {  	_ =	strace s4  }
0x96: {  	s4 =	sld [smem:$0x3FFD];
	_ =	sdelay $0x3  }
0x97: {  	_ =	strace s4  }
0x98: {  	_ =	strace $0x8FFFFFFF  }
0x99: {  	s19 =	sld [smem:$0x3FDB];
	_ =	sdelay $0x1  }
0x9a: {  	s5 =	simm.s32 $_scs_section_size  }
0x9b: {  	s6 =	simm.s32 $_size__tile_overlayer_lowered;
	s7 =	simm.s32 $_tile_overlayer_lowered  }
0x9c: {  	s22 =	simm.s32 $0x1BFF;
	s21 =	sshll.u32 s7, $0x1;
	s4 =	sadd.s32 s5, s19  }
0x9d: {  	s8 =	simm.s32 $0x0;
	s20 =	sshll.u32 s6, $0x1;
	s6 =	sadd.s32 s21, s4  }
0x9e: {  	[timem:s8], [sflag:s22] =	dma.local [hbm:s6], s20  }
0x9f: {  	_ =	swait.ge [sflag:s22], s20  }
0xa0: {  	s5 =	ssub.s32 $0x0, s20;
	[sflag:s22] =	ssyncset.done $0x0  }
0xa1: {  	[sflag:s22] =	ssyncadd.s32 s5;
	_ =	sdelay $0x1  }
0xa2: {  	s23 =	simm.s32 $0x1B8B  }
0xa3: {  	_ =	swait.ge [sflag:s23], $0x1  }
0xa4: {  	[sflag:s23] =	ssyncset.done $0x0  }
0xa5: {  	s25 =	simm.s32 $0x1B8E;
	s24 =	sld [smem:$0x3FFE];
	[sflag:s23] =	ssyncadd.s32 $0xFFFFFFFF  }
0xa6: {  	s26 =	simm.s32 $execute0_lowered;
	[smem:$0x3FD2] =	sst s25  }
0xa7: {  	s6 =	sshll.u32 s26, $0x1;
	_ =	strace $0x80000046;
	[dreg:$0x1] =	wrdreg $0xFFFFFFFF  }
0xa8: {  	s28 =	simm.s32 $_size_execute0_lowered;
	s4 =	sadd.s32 s4, s6;
	[dreg:$0x0] =	wrdreg $0x0  }
0xa9: {  	s6 =	sshll.u32 s28, $0x1;
	[dreg:$0x2] =	wrdreg s4  }
0xaa: {  	[dreg:$0x3] =	wrdreg s6  }
0xab: {  	[dreg:$0x4] =	wrdreg $0xC0  }
0xac: {  	_ =	task [dreg:s8], $0x5FFFF  }
0xad: {  	[dreg:$0x1] =	wrdreg $0xFFFFFFFF  }
0xae: {  	[dreg:$0x0] =	wrdreg $0x60  }
0xaf: {  	[dreg:$0x2] =	wrdreg s2  }
0xb0: {  	[dreg:$0x3] =	wrdreg s24  }
0xb1: {  	[dreg:$0x4] =	wrdreg s18  }
0xb2: {  	[dreg:$0x5] =	wrdreg $0x124000  }
0xb3: {  	[dreg:$0x6] =	wrdreg $0x9  }
0xb4: {  	_ =	task.clear_ibuf [dreg:s8], $0x7FFFF;
	_ =	strace $0x90000046  }
0xb5: {  	s29 =	simm.s32 $0x9;
	_ =	strace $0x80000048  }
0xb6: {  	_ =	swait.ge [sflag:s29], $0x1  }
0xb7: {  	[sflag:s29] =	ssyncadd.s32 $0xFFFFFFFF  }
0xb8: {  	_ =	strace $0x90000048  }
0xb9: {  	_ =	sfence  }
0xba: {  	s30 =	sld [smem:$0x0];
	_ =	sdelay $0x2  }
0xbb: {  	s31 =	sshll.u32 s1, $0xD;
	s1 =	sshrl.u32 s1, $0x2  }
0xbc: {  	s3 =	sand.u32 $0x4000, s31;
	s1 =	sadd.s32 s1, s30  }
0xbd: {  	s0 =	sor.u32 s3, s0;
	s1 =	sshll.u32 s1, $0x11  }
0xbe: {  	s0 =	sor.u32 s1, s0  }
0xbf: {  	s0 =	sadd.s32 $0x8F2B, s0  }
0xc0: {  	[sflag:s0] =	ssyncadd.remote.s32 $0x1  }
0xc1: {  	_ =	sfence.sel $0xFFFF  }
0xc2: {  	[dreg:$0x0] =	wrdreg $0xFFFFFFFF;
	(pc) =	sbr.abs _section_cstart, $3  }
0xc3: {  	[dreg:$0x1] =	wrdreg $0xFFFFFFFF  }
0xc4: {  	_ =	task.clear_ibuf [dreg:s8], $0x2FFFF;
	_ =	strace $0x9FFFFFFF  }
0xc5: {  	(tm) =	ssettm $0x7FFFFFFF  }
tec
execute0_lowered:
.L_overlay_start_1:
0x0: {  	(tag) =	ssettag $0x1  }
0x1: {  	s1 =	rddreg [dreg:$0x0]  }
0x2: {  	s2 =	rddreg [dreg:$0x1];
	s4 =	srdreg.scid  }
0x3: {  	s0 =	stileid.u32;
	s3 =	rddreg [dreg:$0x2]  }
0x4: {  	s5 =	rddreg [dreg:$0x3];
	s15 =	simm.s32 $0xB400;
	s16 =	simm.s32 $0xBC00  }
0x5: {  	s17 =	simm.s32 $0xC400;
	s18 =	simm.s32 $0xCC00;
	s19 =	simm.s32 $0x1  }
0x6: {  	s20 =	simm.s32 $0x3;
	s21 =	simm.s32 $0x2;
	s12 =	smul.u32 $0x30000, s0  }
0x7: {  	s6 =	sand.u32 $0x1, s4;
	s26 =	sshll.u32 s0, $0x1;
	s29 =	smul.u32 $0x280000, s0  }
0x8: {  	s22 =	simm.s32 $0x0;
	s11 =	sor.u32 s6, s26;
	s13 =	smul.u32 $0x140000, s6  }
0x9: {  	s4 =	simm.s32 $0x0;
	s8 =	ssub.s32 $0x2, s6;
	s7 =	smul.u32 $0x280, s11  }
0xa: {  	[smem:$0x7FF] =	sst s4;
	s9 =	smul.u32 $0x140000, s11;
	s10 =	sshrl.u32 s8, $0x1  }
0xb: {  	_ =	strace $0x80000047;
	s28 =	sshrl.u32 s12, $0x2;
	s12 =	simm.s32 $0x4  }
0xc: {  	p0 =	sne.s32 s11, $0x0;
	s10 =	ssub.s32 s8, s10;
	s5 =	sadd.s32 s28, s5  }
.Ltmp0:
0xd: {  	s8 =	sadd.s32 $0x5400, s2;
	s31 =	sadd.s32 s13, s29;
	(pc) =	sbr.rel .LBB2_1-.Ltmp0, $4  }
0xe: {  	s13 =	simm.s32 $0xA400;
	s7 =	sadd.s32 s7, s2;
	s9 =	sshrl.u32 s9, $0x3  }
0xf: {  	v2 =	vlaneseq.u32;
	s14 =	sadd.s32 $0x4000, s5;
	s10 =	smax.u32 s10, $0x1;
	s26 =	sadd.s32 $0xFFFFC000, s31  }
0x10: {  	vm0 =	vmmov $0xffff;
	v1 =	vshrl.u32 v2, $0x3;
	v0 =	vand.u32 $0x7, v2;
	s30 =	sadd.s32 s3, s9;
	s6 =	sadd.s32 $0x400, s7;
	s9 =	sadd.s32 $0x500000, s3  }
0x11: {  	v2 =	vor.u32 $0x8, v2;
	v1 =	vmul.u32 $0x8, v1;
	vm1 =	vmmov @!p0 $0xffff;
	s25 =	sshrl.u32 s14, $0x3;
	s14 =	simm.s32 $0xAC00;
	s7 =	sadd.s32 $0x27800, s30  }
.LBB2_7:
0x12: {  	_ =	swait.ge [sflag:s21], $0x4000  }
0x13: {  	s2 =	sshll.u32 s0, $0x6;
	[sflag:s21] =	ssyncset.done $0x0  }
0x14: {  	s2 =	sor.u32 $0x1C03, s2;
	[sflag:s21] =	ssyncadd.s32 $0xFFFFC000  }
0x15: {  	[hbm:s7], [sflag:s2] =	dma.local [spmem:s25], $0x800  }
0x16: {  	_ =	swait.ge [sflag:s20], $0x800  }
0x17: {  	[sflag:s20] =	ssyncset.done $0x0  }
0x18: {  	[sflag:s20] =	ssyncadd.s32 $0xFFFFF800  }
0x19: {  	_ =	swait.ge [sflag:s20], $0x800  }
0x1a: {  	[sflag:s20] =	ssyncset.done $0x0  }
0x1b: {  	[sflag:s20] =	ssyncadd.s32 $0xFFFFF800  }
0x1c: {  	_ =	swait.ge [sflag:s20], $0x800  }
0x1d: {  	[sflag:s20] =	ssyncset.done $0x0  }
0x1e: {  	s11 =	simm.s32 @!p0 $0x4;
	s2 =	simm.s32 @!p0 $0x0;
	[sflag:s20] =	ssyncadd.s32 $0xFFFFF800  }
0x1f: {  	[tilespmem:s2], [sflag:$0x4] =	stream.linear.gather @!p0 [hbm4b:s8+s2], $0x10, $0x38;
	[tilespmem:$0x1E400] =	vst v63  }
0x20: {  	_ =	swait.ge @!p0 [sflag:s11], $0x10  }
0x21: {  	[sflag:s11] =	ssyncset.done @!p0 $0x0  }
0x22: {  	[sflag:s11] =	ssyncadd.s32 @!p0 $0xFFFFFFF0  }
0x23: {  	v3 =	vld @!p0 [tilespmem:$0x0];
	_ =	sdelay $0x4  }
0x24: {  	v4 =	vshll.u32 @!p0 v3, $0x1  }
0x25: {  	v5 =	vlaneseq.u32 @!p0;
	v3 =	vand.u32 @!p0 $0x7, v3;
	v4 =	vand.u32 @!p0 $0xFFFFFFF0, v4  }
0x26: {  	v6 =	vshrl.u32 @!p0 v5, $0x3;
	v3 =	vor.u32 @!p0 v3, v4;
	v4 =	vand.u32 @!p0 $0x7, v5  }
0x27: {  	v6 =	vmul.u32 @!p0 $0x8, v6;
	v4 =	vperm.xlane @!p0 v3, v4  }
0x28: {  	v5 =	vor.u32 @!p0 $0x8, v5  }
0x29: {  	v3 =	vperm.xlane @!p0 v3, v5;
	v4 =	vadd.s32 @!p0 v6, v4;
	_ =	sdelay $0x1  }
0x2a: {  	v3 =	vadd.s32 @!p0 v6, v3;
	_ =	sdelay $0x1  }
0x2b: {  	s23 =	simm.s32 @!p0 $0x11400  }
0x2c: {  	[tilespmem:s23], [sflag:$0x1] =	stream.indirect_vreg.gather @!p0 [hbm4b:s1+s2], $0x80, v4, vm1, $0xb8;
	[tilespmem:$0x1E400] =	vst v63  }
0x2d: {  	s24 =	simm.s32 @!p0 $0x11C00  }
0x2e: {  	[tilespmem:s24], [sflag:$0x1] =	stream.indirect_vreg.gather @!p0 [hbm4b:s1+s2], $0x80, v3, vm1, $0xb8;
	[tilespmem:$0x1E400] =	vst v63  }
0x2f: {  	s24 =	simm.s32 @!p0 $0x1  }
0x30: {  	_ =	swait.ge @!p0 [sflag:s24], $0x1000  }
0x31: {  	s22 =	sadd.s32 $0x1, s22;
	[sflag:s24] =	ssyncset.done @!p0 $0x0  }
0x32: {  	p1 =	sne.s32 s22, s10;
	[sflag:s24] =	ssyncadd.s32 @!p0 $0xFFFFF000  }
0x33: {  	[hbm4b:s9+s2] =	stream.linear.scatter @!p0 [tilespmem:s23], [sflag:$0x4], $0x100, $0x38;
	[tilespmem:$0x1E400] =	vst v63  }
.Ltmp1:
0x34: {  	s24 =	simm.s32 @!p0 $0x11800;
	s23 =	sadd.s32 @!p0 $0x80, s9;
	(pc) =	sbr.rel @!p1 .LBB2_8-.Ltmp1, $4  }
0x35: {  	[hbm4b:s23+s2] =	stream.linear.scatter @!p0 [tilespmem:s24], [sflag:$0x4], $0x100, $0x38;
	[tilespmem:$0x1E400] =	vst v63  }
0x36: {  	_ =	swait.ge @!p0 [sflag:s11], $0x200  }
0x37: {  	[sflag:s11] =	ssyncset.done @!p0 $0x0  }
0x38: {  	[sflag:s11] =	ssyncadd.s32 @!p0 $0xFFFFFE00  }
.LBB2_1:
0x39: {  	[tilespmem:s4], [sflag:$0x4] =	stream.linear.gather [hbm4b:s6+s4], $0x1400, $0x38;
	[tilespmem:$0x1E400] =	vst v63  }
0x3a: {  	_ =	swait.ge [sflag:s12], $0x1400  }
0x3b: {  	[sflag:s12] =	ssyncset.done $0x0  }
0x3c: {  	[sflag:s12] =	ssyncadd.s32 $0xFFFFEC00  }
0x3d: {  	v3 =	vld [tilespmem:$0x0];
	_ =	sdelay $0x4  }
0x3e: {  	v4 =	vshll.u32 v3, $0x1  }
0x3f: {  	v3 =	vand.u32 $0x7, v3;
	v4 =	vand.u32 $0xFFFFFFF0, v4  }
0x40: {  	v3 =	vor.u32 v3, v4  }
0x41: {  	v4 =	vperm.xlane v3, v0;
	_ =	sdelay $0x1  }
0x42: {  	v3 =	vperm.xlane v3, v2;
	v4 =	vadd.s32 v1, v4;
	_ =	sdelay $0x1  }
0x43: {  	v3 =	vadd.s32 v1, v3;
	_ =	sdelay $0x1  }
0x44: {  	s2 =	simm.s32 $0x1400  }
0x45: {  	[tilespmem:s2], [sflag:$0x1] =	stream.indirect_vreg.gather [hbm4b:s1+s4], $0x80, v4, vm0, $0xb8;
	[tilespmem:$0x1E400] =	vst v63  }
0x46: {  	s23 =	simm.s32 $0x1C00  }
0x47: {  	[tilespmem:s23], [sflag:$0x1] =	stream.indirect_vreg.gather [hbm4b:s1+s4], $0x80, v3, vm0, $0xb8;
	[tilespmem:$0x1E400] =	vst v63  }
0x48: {  	v3 =	vld [tilespmem:$0x10];
	_ =	sdelay $0x4  }
0x49: {  	v53 =	vshll.u32 v3, $0x1  }
0x4a: {  	v3 =	vand.u32 $0x7, v3;
	v4 =	vand.u32 $0xFFFFFFF0, v53  }
0x4b: {  	v3 =	vor.u32 v3, v4  }
0x4c: {  	v4 =	vperm.xlane v3, v0;
	_ =	sdelay $0x1  }
0x4d: {  	v3 =	vperm.xlane v3, v2;
	v4 =	vadd.s32 v1, v4;
	_ =	sdelay $0x1  }
0x4e: {  	v3 =	vadd.s32 v1, v3;
	_ =	sdelay $0x1  }
0x4f: {  	s24 =	simm.s32 $0x2400  }
0x50: {  	[tilespmem:s24], [sflag:$0x1] =	stream.indirect_vreg.gather [hbm4b:s1+s4], $0x80, v4, vm0, $0xb8;
	[tilespmem:$0x1E400] =	vst v63  }
0x51: {  	s29 =	simm.s32 $0x2C00  }
0x52: {  	[tilespmem:s29], [sflag:$0x1] =	stream.indirect_vreg.gather [hbm4b:s1+s4], $0x80, v3, vm0, $0xb8;
	[tilespmem:$0x1E400] =	vst v63  }
0x53: {  	v3 =	vld [tilespmem:$0x20];
	_ =	sdelay $0x4  }
0x54: {  	v54 =	vshll.u32 v3, $0x1  }
0x55: {  	v3 =	vand.u32 $0x7, v3;
	v4 =	vand.u32 $0xFFFFFFF0, v54  }
0x56: {  	v3 =	vor.u32 v3, v4  }
0x57: {  	v4 =	vperm.xlane v3, v0;
	_ =	sdelay $0x1  }
0x58: {  	v3 =	vperm.xlane v3, v2;
	v4 =	vadd.s32 v1, v4;
	_ =	sdelay $0x1  }
0x59: {  	v3 =	vadd.s32 v1, v3;
	_ =	sdelay $0x1  }
0x5a: {  	s30 =	simm.s32 $0x3400  }
0x5b: {  	[tilespmem:s30], [sflag:$0x1] =	stream.indirect_vreg.gather [hbm4b:s1+s4], $0x80, v4, vm0, $0xb8;
	[tilespmem:$0x1E400] =	vst v63  }
0x5c: {  	s31 =	simm.s32 $0x3C00  }
0x5d: {  	[tilespmem:s31], [sflag:$0x1] =	stream.indirect_vreg.gather [hbm4b:s1+s4], $0x80, v3, vm0, $0xb8;
	[tilespmem:$0x1E400] =	vst v63  }
0x5e: {  	v3 =	vld [tilespmem:$0x30];
	_ =	sdelay $0x4  }
0x5f: {  	v55 =	vshll.u32 v3, $0x1  }
0x60: {  	v3 =	vand.u32 $0x7, v3;
	v4 =	vand.u32 $0xFFFFFFF0, v55  }
0x61: {  	v3 =	vor.u32 v3, v4  }
0x62: {  	v4 =	vperm.xlane v3, v0;
	_ =	sdelay $0x1  }
0x63: {  	v3 =	vperm.xlane v3, v2;
	v4 =	vadd.s32 v1, v4;
	_ =	sdelay $0x1  }
0x64: {  	v3 =	vadd.s32 v1, v3;
	_ =	sdelay $0x1  }
0x65: {  	s11 =	simm.s32 $0x4400  }
0x66: {  	[tilespmem:s11], [sflag:$0x1] =	stream.indirect_vreg.gather [hbm4b:s1+s4], $0x80, v4, vm0, $0xb8;
	[tilespmem:$0x1E400] =	vst v63  }
0x67: {  	s23 =	simm.s32 $0x4C00  }
0x68: {  	[tilespmem:s23], [sflag:$0x1] =	stream.indirect_vreg.gather [hbm4b:s1+s4], $0x80, v3, vm0, $0xb8;
	[tilespmem:$0x1E400] =	vst v63  }
0x69: {  	v3 =	vld [tilespmem:$0x40];
	_ =	sdelay $0x4  }
0x6a: {  	v56 =	vshll.u32 v3, $0x1  }
0x6b: {  	v3 =	vand.u32 $0x7, v3;
	v4 =	vand.u32 $0xFFFFFFF0, v56  }
0x6c: {  	v3 =	vor.u32 v3, v4  }
0x6d: {  	v4 =	vperm.xlane v3, v0;
	_ =	sdelay $0x1  }
0x6e: {  	v3 =	vperm.xlane v3, v2;
	v4 =	vadd.s32 v1, v4;
	_ =	sdelay $0x1  }
0x6f: {  	v3 =	vadd.s32 v1, v3;
	_ =	sdelay $0x1  }
0x70: {  	s24 =	simm.s32 $0x5400  }
0x71: {  	[tilespmem:s24], [sflag:$0x1] =	stream.indirect_vreg.gather [hbm4b:s1+s4], $0x80, v4, vm0, $0xb8;
	[tilespmem:$0x1E400] =	vst v63  }
0x72: {  	s29 =	simm.s32 $0x5C00  }
0x73: {  	[tilespmem:s29], [sflag:$0x1] =	stream.indirect_vreg.gather [hbm4b:s1+s4], $0x80, v3, vm0, $0xb8;
	[tilespmem:$0x1E400] =	vst v63  }
0x74: {  	v3 =	vld [tilespmem:$0x50];
	_ =	sdelay $0x4  }
0x75: {  	v57 =	vshll.u32 v3, $0x1  }
0x76: {  	v3 =	vand.u32 $0x7, v3;
	v4 =	vand.u32 $0xFFFFFFF0, v57  }
0x77: {  	v3 =	vor.u32 v3, v4  }
0x78: {  	v4 =	vperm.xlane v3, v0;
	_ =	sdelay $0x1  }
0x79: {  	v3 =	vperm.xlane v3, v2;
	v4 =	vadd.s32 v1, v4;
	_ =	sdelay $0x1  }
0x7a: {  	v3 =	vadd.s32 v1, v3;
	_ =	sdelay $0x1  }
0x7b: {  	s30 =	simm.s32 $0x6400  }
0x7c: {  	[tilespmem:s30], [sflag:$0x1] =	stream.indirect_vreg.gather [hbm4b:s1+s4], $0x80, v4, vm0, $0xb8;
	[tilespmem:$0x1E400] =	vst v63  }
0x7d: {  	s31 =	simm.s32 $0x6C00  }
0x7e: {  	[tilespmem:s31], [sflag:$0x1] =	stream.indirect_vreg.gather [hbm4b:s1+s4], $0x80, v3, vm0, $0xb8;
	[tilespmem:$0x1E400] =	vst v63  }
0x7f: {  	v3 =	vld [tilespmem:$0x60];
	_ =	sdelay $0x4  }
0x80: {  	v58 =	vshll.u32 v3, $0x1  }
0x81: {  	v3 =	vand.u32 $0x7, v3;
	v4 =	vand.u32 $0xFFFFFFF0, v58  }
0x82: {  	v3 =	vor.u32 v3, v4  }
0x83: {  	v4 =	vperm.xlane v3, v0;
	_ =	sdelay $0x1  }
0x84: {  	v3 =	vperm.xlane v3, v2;
	v4 =	vadd.s32 v1, v4;
	_ =	sdelay $0x1  }
0x85: {  	v3 =	vadd.s32 v1, v3;
	_ =	sdelay $0x1  }
0x86: {  	s11 =	simm.s32 $0x7400  }
0x87: {  	[tilespmem:s11], [sflag:$0x1] =	stream.indirect_vreg.gather [hbm4b:s1+s4], $0x80, v4, vm0, $0xb8;
	[tilespmem:$0x1E400] =	vst v63  }
0x88: {  	s23 =	simm.s32 $0x7C00  }
0x89: {  	[tilespmem:s23], [sflag:$0x1] =	stream.indirect_vreg.gather [hbm4b:s1+s4], $0x80, v3, vm0, $0xb8;
	[tilespmem:$0x1E400] =	vst v63  }
0x8a: {  	v3 =	vld [tilespmem:$0x70];
	_ =	sdelay $0x4  }
0x8b: {  	v59 =	vshll.u32 v3, $0x1  }
0x8c: {  	v3 =	vand.u32 $0x7, v3;
	v4 =	vand.u32 $0xFFFFFFF0, v59  }
0x8d: {  	v3 =	vor.u32 v3, v4  }
0x8e: {  	v4 =	vperm.xlane v3, v0;
	_ =	sdelay $0x1  }
0x8f: {  	v3 =	vperm.xlane v3, v2;
	v4 =	vadd.s32 v1, v4;
	_ =	sdelay $0x1  }
0x90: {  	v3 =	vadd.s32 v1, v3;
	_ =	sdelay $0x1  }
0x91: {  	s24 =	simm.s32 $0x8400  }
0x92: {  	[tilespmem:s24], [sflag:$0x1] =	stream.indirect_vreg.gather [hbm4b:s1+s4], $0x80, v4, vm0, $0xb8;
	[tilespmem:$0x1E400] =	vst v63  }
0x93: {  	s29 =	simm.s32 $0x8C00  }
0x94: {  	[tilespmem:s29], [sflag:$0x1] =	stream.indirect_vreg.gather [hbm4b:s1+s4], $0x80, v3, vm0, $0xb8;
	[tilespmem:$0x1E400] =	vst v63  }
0x95: {  	v3 =	vld [tilespmem:$0x80];
	_ =	sdelay $0x4  }
0x96: {  	v60 =	vshll.u32 v3, $0x1  }
0x97: {  	v3 =	vand.u32 $0x7, v3;
	v4 =	vand.u32 $0xFFFFFFF0, v60  }
0x98: {  	v3 =	vor.u32 v3, v4  }
0x99: {  	v4 =	vperm.xlane v3, v0;
	_ =	sdelay $0x1  }
0x9a: {  	v3 =	vperm.xlane v3, v2;
	v4 =	vadd.s32 v1, v4;
	_ =	sdelay $0x1  }
0x9b: {  	v3 =	vadd.s32 v1, v3;
	_ =	sdelay $0x1  }
0x9c: {  	s30 =	simm.s32 $0x9400  }
0x9d: {  	[tilespmem:s30], [sflag:$0x1] =	stream.indirect_vreg.gather [hbm4b:s1+s4], $0x80, v4, vm0, $0xb8;
	[tilespmem:$0x1E400] =	vst v63  }
0x9e: {  	s31 =	simm.s32 $0x9C00  }
0x9f: {  	[tilespmem:s31], [sflag:$0x1] =	stream.indirect_vreg.gather [hbm4b:s1+s4], $0x80, v3, vm0, $0xb8;
	[tilespmem:$0x1E400] =	vst v63  }
0xa0: {  	v3 =	vld [tilespmem:$0x90];
	_ =	sdelay $0x4  }
0xa1: {  	v61 =	vshll.u32 v3, $0x1  }
0xa2: {  	v3 =	vand.u32 $0x7, v3;
	v4 =	vand.u32 $0xFFFFFFF0, v61  }
0xa3: {  	v3 =	vor.u32 v3, v4  }
0xa4: {  	v4 =	vperm.xlane v3, v0;
	_ =	sdelay $0x1  }
0xa5: {  	v3 =	vperm.xlane v3, v2;
	v4 =	vadd.s32 v1, v4;
	_ =	sdelay $0x1  }
0xa6: {  	v3 =	vadd.s32 v1, v3;
	_ =	sdelay $0x2  }
0xa7: {  	[tilespmem:s13], [sflag:$0x1] =	stream.indirect_vreg.gather [hbm4b:s1+s4], $0x80, v4, vm0, $0xb8;
	[tilespmem:$0x1E400] =	vst v63  }
0xa8: {  	_ = 	snop  }
0xa9: {  	[tilespmem:s14], [sflag:$0x1] =	stream.indirect_vreg.gather [hbm4b:s1+s4], $0x80, v3, vm0, $0xb8;
	[tilespmem:$0x1E400] =	vst v63  }
0xaa: {  	v3 =	vld [tilespmem:$0xA0];
	_ =	sdelay $0x4  }
0xab: {  	v62 =	vshll.u32 v3, $0x1  }
0xac: {  	v3 =	vand.u32 $0x7, v3;
	v4 =	vand.u32 $0xFFFFFFF0, v62  }
0xad: {  	v3 =	vor.u32 v3, v4  }
0xae: {  	v4 =	vperm.xlane v3, v0;
	_ =	sdelay $0x1  }
0xaf: {  	v3 =	vperm.xlane v3, v2;
	v4 =	vadd.s32 v1, v4;
	_ =	sdelay $0x1  }
0xb0: {  	v3 =	vadd.s32 v1, v3;
	_ =	sdelay $0x2  }
0xb1: {  	[tilespmem:s15], [sflag:$0x1] =	stream.indirect_vreg.gather [hbm4b:s1+s4], $0x80, v4, vm0, $0xb8;
	[tilespmem:$0x1E400] =	vst v63  }
0xb2: {  	_ = 	snop  }
0xb3: {  	[tilespmem:s16], [sflag:$0x1] =	stream.indirect_vreg.gather [hbm4b:s1+s4], $0x80, v3, vm0, $0xb8;
	[tilespmem:$0x1E400] =	vst v63  }
0xb4: {  	v3 =	vld [tilespmem:$0xB0];
	_ =	sdelay $0x4  }
0xb5: {  	v63 =	vshll.u32 v3, $0x1  }
0xb6: {  	v3 =	vand.u32 $0x7, v3;
	v4 =	vand.u32 $0xFFFFFFF0, v63  }
0xb7: {  	v3 =	vor.u32 v3, v4  }
0xb8: {  	v4 =	vperm.xlane v3, v0;
	_ =	sdelay $0x1  }
0xb9: {  	v3 =	vperm.xlane v3, v2;
	v4 =	vadd.s32 v1, v4;
	_ =	sdelay $0x1  }
0xba: {  	v3 =	vadd.s32 v1, v3  }
.Ltmp2:
0xbb: {  	_ = 	snop;
	(pc) =	sbr.rel .LBB2_2-.Ltmp2, $4  }
0xbc: {  	s28 =	simm.s32 $0x0  }
0xbd: {  	[tilespmem:s17], [sflag:$0x1] =	stream.indirect_vreg.gather [hbm4b:s1+s4], $0x80, v4, vm0, $0xb8;
	[tilespmem:$0x1E400] =	vst v63  }
0xbe: {  	s11 =	smov.u32 s26;
	s23 =	simm.s32 $0x30000;
	s24 =	simm.s32 $0xF0  }
0xbf: {  	[tilespmem:s18], [sflag:$0x1] =	stream.indirect_vreg.gather [hbm4b:s1+s4], $0x80, v3, vm0, $0xb8;
	[tilespmem:$0x1E400] =	vst v63  }
.LBB2_3:
0xc0: {  	s2 =	sshra.s32 s23, $0x2  }
0xc1: {  	s2 =	sadd.s32 s2, s5  }
0xc2: {  	s2 =	sadd.s32 $0xFFFF4000, s2  }
0xc3: {  	[spmem:s2] =	stream.linear.scatter [tilespmem:s29], [sflag:$0x2], $0x4000, $0x38;
	[tilespmem:$0x1E400] =	vst v63  }
.LBB2_5:
0xc4: {  	v3 =	vld [tilespmem:s24+$0xFFFFFFD0];
	_ =	sdelay $0x4  }
0xc5: {  	v4 =	vshll.u32 v3, $0x1  }
0xc6: {  	v3 =	vand.u32 $0x7, v3;
	v4 =	vand.u32 $0xFFFFFFF0, v4  }
0xc7: {  	v3 =	vor.u32 v3, v4  }
0xc8: {  	v4 =	vperm.xlane v3, v0;
	_ =	sdelay $0x1  }
0xc9: {  	v3 =	vperm.xlane v3, v2;
	v4 =	vadd.s32 v1, v4;
	_ =	sdelay $0x1  }
0xca: {  	s2 =	sshrl.u32 s23, $0x2;
	v3 =	vadd.s32 v1, v3  }
0xcb: {  	s2 =	sand.u32 $0xC000, s2  }
0xcc: {  	s29 =	sor.u32 $0x1400, s2  }
0xcd: {  	[tilespmem:s29], [sflag:$0x1] =	stream.indirect_vreg.gather [hbm4b:s1+s4], $0x80, v4, vm0, $0xb8;
	[tilespmem:$0x1E400] =	vst v63  }
0xce: {  	s30 =	sor.u32 $0x1C00, s2  }
0xcf: {  	[tilespmem:s30], [sflag:$0x1] =	stream.indirect_vreg.gather [hbm4b:s1+s4], $0x80, v3, vm0, $0xb8;
	[tilespmem:$0x1E400] =	vst v63  }
0xd0: {  	v3 =	vld [tilespmem:s24+$0xFFFFFFE0];
	_ =	sdelay $0x4  }
0xd1: {  	v61 =	vshll.u32 v3, $0x1  }
0xd2: {  	v3 =	vand.u32 $0x7, v3;
	v4 =	vand.u32 $0xFFFFFFF0, v61  }
0xd3: {  	v3 =	vor.u32 v3, v4  }
0xd4: {  	v4 =	vperm.xlane v3, v0;
	_ =	sdelay $0x1  }
0xd5: {  	v3 =	vperm.xlane v3, v2;
	v4 =	vadd.s32 v1, v4;
	_ =	sdelay $0x1  }
0xd6: {  	v3 =	vadd.s32 v1, v3;
	_ =	sdelay $0x1  }
0xd7: {  	s31 =	sor.u32 $0x2400, s2  }
0xd8: {  	[tilespmem:s31], [sflag:$0x1] =	stream.indirect_vreg.gather [hbm4b:s1+s4], $0x80, v4, vm0, $0xb8;
	[tilespmem:$0x1E400] =	vst v63  }
0xd9: {  	s30 =	sor.u32 $0x2C00, s2  }
0xda: {  	[tilespmem:s30], [sflag:$0x1] =	stream.indirect_vreg.gather [hbm4b:s1+s4], $0x80, v3, vm0, $0xb8;
	[tilespmem:$0x1E400] =	vst v63  }
0xdb: {  	v3 =	vld [tilespmem:s24+$0xFFFFFFF0];
	_ =	sdelay $0x4  }
0xdc: {  	v62 =	vshll.u32 v3, $0x1  }
0xdd: {  	v3 =	vand.u32 $0x7, v3;
	v4 =	vand.u32 $0xFFFFFFF0, v62  }
0xde: {  	v3 =	vor.u32 v3, v4  }
0xdf: {  	v4 =	vperm.xlane v3, v0;
	_ =	sdelay $0x1  }
0xe0: {  	v3 =	vperm.xlane v3, v2;
	v4 =	vadd.s32 v1, v4;
	_ =	sdelay $0x1  }
0xe1: {  	v3 =	vadd.s32 v1, v3;
	_ =	sdelay $0x1  }
0xe2: {  	s31 =	sor.u32 $0x3400, s2  }
0xe3: {  	[tilespmem:s31], [sflag:$0x1] =	stream.indirect_vreg.gather [hbm4b:s1+s4], $0x80, v4, vm0, $0xb8;
	[tilespmem:$0x1E400] =	vst v63  }
0xe4: {  	s30 =	sor.u32 $0x3C00, s2  }
0xe5: {  	[tilespmem:s30], [sflag:$0x1] =	stream.indirect_vreg.gather [hbm4b:s1+s4], $0x80, v3, vm0, $0xb8;
	[tilespmem:$0x1E400] =	vst v63  }
0xe6: {  	v3 =	vld [tilespmem:s24+$0x0];
	_ =	sdelay $0x4  }
0xe7: {  	v63 =	vshll.u32 v3, $0x1  }
0xe8: {  	v3 =	vand.u32 $0x7, v3;
	v4 =	vand.u32 $0xFFFFFFF0, v63  }
0xe9: {  	v3 =	vor.u32 v3, v4  }
0xea: {  	v4 =	vperm.xlane v3, v0;
	_ =	sdelay $0x1  }
0xeb: {  	v3 =	vperm.xlane v3, v2;
	v4 =	vadd.s32 v1, v4;
	_ =	sdelay $0x1  }
0xec: {  	v3 =	vadd.s32 v1, v3;
	_ =	sdelay $0x1  }
0xed: {  	s31 =	sadd.s32 $0x4400, s2  }
0xee: {  	[tilespmem:s31], [sflag:$0x1] =	stream.indirect_vreg.gather [hbm4b:s1+s4], $0x80, v4, vm0, $0xb8;
	[tilespmem:$0x1E400] =	vst v63  }
0xef: {  	s2 =	sadd.s32 $0x4C00, s2  }
0xf0: {  	[tilespmem:s2], [sflag:$0x1] =	stream.indirect_vreg.gather [hbm4b:s1+s4], $0x80, v3, vm0, $0xb8;
	[tilespmem:$0x1E400] =	vst v63  }
.LBB2_6:
0xf1: {  	s23 =	sadd.s32 $0x10000, s23  }
0xf2: {  	p1 =	sne.s32 s23, $0x530000  }
.Ltmp3:
0xf3: {  	_ = 	snop;
	(pc) =	sbr.rel @!p1 .LBB2_7-.Ltmp3, $2  }
0xf4: {  	_ =	sdelay $0x2  }
0xf5: {  	s28 =	sadd.s32 $0x1, s28;
	s11 =	sadd.s32 $0x4000, s11;
	s24 =	sadd.s32 $0x40, s24  }
.LBB2_2:
0xf6: {  	p1 =	seq.s32 s23, $0x30000  }
0xf7: {  	s29 =	sadd.s32 @!p1 $0xFFFFFFFF, s28  }
0xf8: {  	s30 =	sand.u32 @!p1 $0xFF, s29  }
0xf9: {  	s30 =	smul.u32 @!p1 $0xAB, s30;
	_ =	sdelay $0x1  }
0xfa: {  	s30 =	sshrl.u32 @!p1 s30, $0x9  }
0xfb: {  	_ =	swait.ge [sflag:s19], $0x4000;
	s30 =	smul.u32 @!p1 $0x3, s30  }
0xfc: {  	[sflag:s19] =	ssyncset.done $0x0  }
0xfd: {  	s31 =	simm.s32 @!p1 $0x2;
	[sflag:s19] =	ssyncadd.s32 $0xFFFFC000;
	s29 =	ssub.s32 @!p1 s29, s30  }
0xfe: {  	s2 =	sshll.u32 @!p1 s0, $0x6;
	_ =	swait.ge @!p1 [sflag:s31], $0x4000;
	s29 =	sand.u32 @!p1 $0xFF, s29  }
0xff: {  	p2 =	sgt.u32 @!p1 s28, $0x2;
	[sflag:s31] =	ssyncset.done @!p1 $0x0;
	s29 =	sshll.u32 @!p1 s29, $0xE  }
0x100: {  	[sflag:s31] =	ssyncadd.s32 @!p1 $0xFFFFC000;
	s31 =	sshrl.u32 @!p1 s11, $0x3;
	s29 =	sadd.s32 @!p1 s29, s5  }
0x101: {  	s2 =	sor.u32 @!p1 $0x1C03, s2;
	s31 =	sadd.s32 @!p1 s3, s31;
	s29 =	sshrl.u32 @!p1 s29, $0x3  }
0x102: {  	[hbm:s31], [sflag:s2] =	dma.local @!p1 [spmem:s29], $0x800  }
0x103: {  	p1 =	por p1, !p2  }
.Ltmp4:
0x104: {  	_ = 	snop;
	(pc) =	sbr.rel @p1 .LBB2_3-.Ltmp4, $4  }
0x105: {  	s30 =	sadd.s32 $0xFFFD0000, s23  }
0x106: {  	s31 =	sand.u32 $0x30000, s30  }
0x107: {  	s2 =	sshrl.u32 s31, $0x2  }
0x108: {  	s29 =	sor.u32 $0x1400, s2  }
0x109: {  	s2 =	smul.u32 $0xAB, s28;
	_ =	sdelay $0x1  }
0x10a: {  	s2 =	sshrl.u32 s2, $0x9  }
0x10b: {  	s2 =	sand.u32 $0x7F, s2  }
0x10c: {  	s2 =	smul.u32 $0x3, s2  }
0x10d: {  	p1 =	sgt.u32 s28, $0x4C  }
.Ltmp5:
0x10e: {  	s2 =	ssub.s32 s28, s2;
	(pc) =	sbr.rel @p1 .LBB2_6-.Ltmp5, $4  }
.Ltmp6:
0x10f: {  	_ =	swait.ge [sflag:s20], $0x800;
	s2 =	sand.u32 $0xFF, s2;
	(pc) =	sbr.rel @!p1 .LBB2_5-.Ltmp6, $4  }
0x110: {  	[sflag:s20] =	ssyncset.done $0x0;
	s2 =	sshll.u32 s2, $0xE  }
0x111: {  	[sflag:s20] =	ssyncadd.s32 $0xFFFFF800;
	s2 =	sadd.s32 s2, s5  }
0x112: {  	[spmem:s2] =	stream.linear.scatter [tilespmem:s29], [sflag:$0x2], $0x4000, $0x38;
	[tilespmem:$0x1E400] =	vst v63  }
0x113: {  	_ = 	snop  }
.LBB2_8:
0x114: {  	_ =	sfence.sel $0x180000  }
0x115: {  	[bflag:$0x0] =	sbarrier.arrive $0xFFFF  }
0x116: {  	_ =	strace $0x90000047  }
0x117: {  	[bflag:$0x2] =	sbarrier.arrive $0xFFFF  }
0x118: {  	p0 =	sne.s32 s0, $0x0;
	s0 =	rddreg [dreg:$0x4]  }
0x119: {  	s0 =	sadd.s32 @!p0 $0x100000, s0  }
0x11a: {  	[sflag:s0] =	ssyncadd.tile.s32 @!p0 $0x1;
	_ =	shalt  }
.Lfunc_end2:
_tile_overlayer_lowered:
.L_overlay_start_2:
0x11b: {  	(tag) =	ssettag $0x2  }
0x11c: {  	s0 =	rddreg [dreg:$0x0];
	s2 =	stileid.u32  }
0x11d: {  	s1 =	rddreg [dreg:$0x1];
	p0 =	sne.s32 s2, $0x0  }
0x11e: {  	s3 =	rddreg [dreg:$0x2];
	[bflag:$0x3] =	sbarrier.arrive $0xFFFF;
	s2 =	simm.s32 @!p0 $0x1C04  }
0x11f: {  	[timem:s3], [sflag:s2] =	dma.local @!p0 [hbm:s0], s1  }
0x120: {  	s0 =	simm.s32 @!p0 $0x4  }
0x121: {  	_ =	swait.ge @!p0 [sflag:s0], s1  }
0x122: {  	s1 =	ssub.s32 @!p0 $0x0, s1;
	[sflag:s0] =	ssyncset.done @!p0 $0x0  }
0x123: {  	[sflag:s0] =	ssyncadd.s32 @!p0 s1  }
0x124: {  	[bflag:$0x3] =	sbarrier.arrive $0xFFFF  }
0x125: {  	_ =	shalt  }

</sc_bundles>
